<compile_context>
chip_gen: v7x
topology: tpu7x:2x2x1
jax: 0.10.2.dev20260603
libtpu: 0.0.44.dev20260713+nightly
codegen_flags: <defaults>
</compile_context>

<pallas_src>
import functools
import math

import jax
import jax.numpy as jnp
from jax import lax
from jax.experimental import pallas as pl
from jax.experimental.pallas import tpu as pltpu
from jax.experimental.pallas import tpu_sc as plsc

PAD_IDX = 0
LANES = 16


@functools.partial(jax.jit, static_argnames=("n_workers", "granule", "nbuf"))
def _sc_embed(idx, table, n_workers, granule, nbuf):
    N = idx.shape[0] * idx.shape[1] * idx.shape[2]
    n_gran = idx.shape[1]
    D = table.shape[1]
    scale = math.sqrt(float(D))
    n_per_w = n_gran * granule
    assert n_gran % nbuf == 0
    mesh = plsc.VectorSubcoreMesh(core_axis_name="c", subcore_axis_name="s")
    info = plsc.get_sparse_core_info()
    nc = info.num_cores

    @functools.partial(
        pl.kernel,
        mesh=mesh,
        out_type=jax.ShapeDtypeStruct((N, D), jnp.float32),
        compiler_params=pltpu.CompilerParams(use_tc_tiling_on_sc=False),
        scratch_types=[
            pltpu.VMEM((n_gran, granule), jnp.int32),
            pltpu.VMEM((nbuf, granule, D), jnp.float32),
            pltpu.SemaphoreType.DMA((nbuf,)),
            pltpu.SemaphoreType.DMA((nbuf,)),
        ],
    )
    def lookup(idx_hbm, tbl_hbm, out_hbm, idx_v, rows_v, gsem, osem):
        wid = lax.axis_index("s") * nc + lax.axis_index("c")
        wbase = wid * n_per_w

        def fire_gather(g, b):
            pltpu.make_async_copy(
                tbl_hbm.at[idx_v.at[g]], rows_v.at[b], gsem.at[b]
            ).start()

        def wait_gather(b):
            pltpu.make_async_copy(
                tbl_hbm.at[idx_v.at[0]], rows_v.at[b], gsem.at[b]
            ).wait()

        def fire_scatter(g, b):
            pltpu.make_async_copy(
                rows_v.at[b], out_hbm.at[pl.ds(wbase + g * granule, granule)],
                osem.at[b],
            ).start()

        def wait_scatter(b):
            pltpu.make_async_copy(
                rows_v.at[b], out_hbm.at[pl.ds(wbase, granule)], osem.at[b]
            ).wait()

        def compute(g, b):
            def grp_body(q, carry):
                iv = idx_v[g, pl.ds(q * LANES, LANES)]
                sv = jnp.where(iv != PAD_IDX, scale, 0.0).astype(jnp.float32)

                def row_body(r, carry2):
                    splat = lax.gather(
                        sv, jnp.full((LANES, 1), r, jnp.int32),
                        lax.GatherDimensionNumbers(
                            offset_dims=(), collapsed_slice_dims=(0,),
                            start_index_map=(0,)),
                        (1,), mode=lax.GatherScatterMode.PROMISE_IN_BOUNDS)
                    row = q * LANES + r
                    for c in range(D // LANES):
                        sl = pl.ds(c * LANES, LANES)
                        rows_v[b, row, sl] = rows_v[b, row, sl] * splat
                    return carry2
                lax.fori_loop(0, LANES, row_body, 0, unroll=4)
                return carry
            lax.fori_loop(0, granule // LANES, grp_body, 0, unroll=2)

        pltpu.sync_copy(idx_hbm.at[wid], idx_v)

        for b in range(nbuf):
            fire_gather(b, b)

        n_outer = n_gran // nbuf

        def outer(go, carry):
            for b in range(nbuf):
                g = go * nbuf + b
                wait_gather(b)
                compute(g, b)
                fire_scatter(g, b)
            for b in range(nbuf):
                @pl.when(go < n_outer - 1)
                def _():
                    wait_scatter(b)
                    fire_gather((go + 1) * nbuf + b, b)
            return carry

        lax.fori_loop(0, n_outer, outer, 0)

        for b in range(nbuf):
            wait_scatter(b)

    return lookup(idx, table)


def kernel(input_sequence, table):
    B, S = input_sequence.shape
    D = table.shape[1]
    N = B * S
    n_workers = 32
    granule = 640
    nbuf = 2
    idx = input_sequence.reshape(N).astype(jnp.int32)
    idx = idx.reshape(n_workers, N // (n_workers * granule), granule)
    out = _sc_embed(idx, table, n_workers, granule, nbuf)
    return out.reshape(B, S, D)

# --- scband reference (transcript-rebuilt; emitter-appended) ---
"""Pipeline reference for scband-embedding-layer-57148834840939 (READ-ONLY COPY).

The authoritative reference and input builder live on the scoring server;
editing this copy changes nothing except your own understanding.
"""

import jax, jax.numpy as jnp
import numpy as np
import math as m

VOCAB = 1000000
D = 64
PAD_IDX = 0

def setup_inputs(seed: int = 0) -> dict:
    key = jax.random.key(seed)
    k_idx, k_tbl = jax.random.split(key)
    input_sequence = jax.random.randint(k_idx, (4096, 200), 0, VOCAB, dtype=jnp.int64)
    table = jax.random.normal(k_tbl, (VOCAB, D), dtype=jnp.float32)
    return {"input_sequence": input_sequence, "table": table}

def reference(input_sequence, table):
    # nn.Embedding with padding_idx=PAD_IDX: that row is zeros
    tbl = table.at[PAD_IDX].set(0.0)
    embeddings = jnp.take(tbl, input_sequence, axis=0)  # (B, S, D) gather
    embeddings = embeddings * m.sqrt(float(D))
    return embeddings

if __name__ == "__main__":
    import jax
    _d = setup_inputs()
    print(jax.jit(kernel)(*tuple(_d.values())))

</pallas_src>

<mosaic_0001>
#map = affine_map<(d0, d1) -> (0, 0, 0)>
#map1 = affine_map<(d0, d1) -> (0, 0)>
module attributes {stable_mosaic.version = 14 : i64} {
  func.func @lookup(%arg0: i32, %arg1: i32, %arg2: memref<32x40x640xi32, #tpu.memory_space<hbm>>, %arg3: memref<1000000x64xf32, #tpu.memory_space<hbm>>, %arg4: memref<819200x64xf32, #tpu.memory_space<hbm>>, %arg5: memref<40x640xi32, #tpu.memory_space<vmem>>, %arg6: memref<2x640x64xf32, #tpu.memory_space<vmem>>, %arg7: memref<2x!tpu.dma_semaphore, #tpu.memory_space<semaphore_mem>>, %arg8: memref<2x!tpu.dma_semaphore, #tpu.memory_space<semaphore_mem>>) attributes {dimension_semantics = [#tpu.dimension_semantics<core_parallel>, #tpu.dimension_semantics<subcore_parallel>], iteration_bounds = array<i64: 2, 16>, scalar_prefetch = 0 : i64, scratch_operands = 4 : i64, tpu.core_type = #tpu.core_type<sc_vector_subcore>, window_params = [{transform_indices = #map}, {transform_indices = #map1}, {transform_indices = #map1}]} {
    %mul3A = arith.constant 2 : i32
    %mul3A_0 = arith.muli %arg1, %mul3A : i32
    %add3A = arith.addi %mul3A_0, %arg0 : i32
    %mul3A_1 = arith.constant 25600 : i32
    %mul3A_2 = arith.muli %add3A, %mul3A_1 : i32
    "tpu.region"() ({
      %run_scoped3A = tpu.sem_alloc : memref<!tpu.dma_semaphore, #tpu.memory_space<semaphore_mem>>
      %dma_start3A_68 = arith.constant 0 : i32
      %dma_start3A_69 = arith.constant 0 : i32
      %dma_start3A_70 = tpu.memref_slice %arg2[%add3A, %dma_start3A_68, %dma_start3A_69] : memref<32x40x640xi32, #tpu.memory_space<hbm>> -> memref<1x40x640xi32, #tpu.memory_space<hbm>>
      %dma_start3A_71 = tpu.memref_squeeze %dma_start3A_70 : memref<1x40x640xi32, #tpu.memory_space<hbm>> -> memref<40x640xi32, #tpu.memory_space<hbm>>
      %dma_start3A_72 = arith.constant 0 : i32
      %dma_start3A_73 = arith.constant 0 : i32
      %dma_start3A_74 = tpu.memref_slice %arg2[%add3A, %dma_start3A_72, %dma_start3A_73] : memref<32x40x640xi32, #tpu.memory_space<hbm>> -> memref<1x40x640xi32, #tpu.memory_space<hbm>>
      %dma_start3A_75 = tpu.memref_squeeze %dma_start3A_74 : memref<1x40x640xi32, #tpu.memory_space<hbm>> -> memref<40x640xi32, #tpu.memory_space<hbm>>
      tpu.enqueue_dma source(%dma_start3A_75 : memref<40x640xi32, #tpu.memory_space<hbm>>) target(%arg5 : memref<40x640xi32, #tpu.memory_space<vmem>>) target_semaphore(%run_scoped3A : memref<!tpu.dma_semaphore, #tpu.memory_space<semaphore_mem>>)
      %dma_wait3A_76 = arith.constant 0 : i32
      %dma_wait3A_77 = arith.constant 0 : i32
      %dma_wait3A_78 = tpu.memref_slice %arg2[%add3A, %dma_wait3A_76, %dma_wait3A_77] : memref<32x40x640xi32, #tpu.memory_space<hbm>> -> memref<1x40x640xi32, #tpu.memory_space<hbm>>
      %dma_wait3A_79 = tpu.memref_squeeze %dma_wait3A_78 : memref<1x40x640xi32, #tpu.memory_space<hbm>> -> memref<40x640xi32, #tpu.memory_space<hbm>>
      %dma_wait3A_80 = arith.constant 0 : i32
      %dma_wait3A_81 = arith.constant 0 : i32
      %dma_wait3A_82 = tpu.memref_slice %arg2[%add3A, %dma_wait3A_80, %dma_wait3A_81] : memref<32x40x640xi32, #tpu.memory_space<hbm>> -> memref<1x40x640xi32, #tpu.memory_space<hbm>>
      %dma_wait3A_83 = tpu.memref_squeeze %dma_wait3A_82 : memref<1x40x640xi32, #tpu.memory_space<hbm>> -> memref<40x640xi32, #tpu.memory_space<hbm>>
      tpu.wait_dma2 semaphore(%run_scoped3A : memref<!tpu.dma_semaphore, #tpu.memory_space<semaphore_mem>>) src(%dma_wait3A_83 : memref<40x640xi32, #tpu.memory_space<hbm>>) dst(%arg5 : memref<40x640xi32, #tpu.memory_space<vmem>>)
      tpu.yield
    }) : () -> ()
    %dma_start3A = arith.constant 0 : i32
    %dma_start3A_3 = arith.constant 0 : i32
    %dma_start3A_4 = arith.constant 0 : i32
    %dma_start3A_5 = arith.constant 0 : i32
    %dma_start3A_6 = arith.constant 0 : i32
    %dma_start3A_7 = tpu.memref_slice %arg6[%dma_start3A_3, %dma_start3A_5, %dma_start3A_6] : memref<2x640x64xf32, #tpu.memory_space<vmem>> -> memref<1x640x64xf32, #tpu.memory_space<vmem>>
    %dma_start3A_8 = tpu.memref_squeeze %dma_start3A_7 : memref<1x640x64xf32, #tpu.memory_space<vmem>> -> memref<640x64xf32, #tpu.memory_space<vmem>>
    %dma_start3A_9 = arith.constant 0 : i32
    %dma_start3A_10 = tpu.memref_slice %arg5[%dma_start3A, %dma_start3A_9] : memref<40x640xi32, #tpu.memory_space<vmem>> -> memref<1x640xi32, #tpu.memory_space<vmem>>
    %dma_start3A_11 = tpu.memref_squeeze %dma_start3A_10 : memref<1x640xi32, #tpu.memory_space<vmem>> -> memref<640xi32, #tpu.memory_space<vmem>>
    %dma_start3A_12 = arith.constant 0 : i32
    %dma_start3A_13 = arith.constant 0 : i32
    %dma_start3A_14 = tpu.memref_slice %arg3[%dma_start3A_12, %dma_start3A_13] : memref<1000000x64xf32, #tpu.memory_space<hbm>> -> memref<1000000x64xf32, #tpu.memory_space<hbm>>
    %dma_start3A_15 = tpu.memref_slice %arg7[%dma_start3A_4] : memref<2x!tpu.dma_semaphore, #tpu.memory_space<semaphore_mem>> -> memref<1x!tpu.dma_semaphore, #tpu.memory_space<semaphore_mem>>
    %dma_start3A_16 = tpu.memref_squeeze %dma_start3A_15 : memref<1x!tpu.dma_semaphore, #tpu.memory_space<semaphore_mem>> -> memref<!tpu.dma_semaphore, #tpu.memory_space<semaphore_mem>>
    tpu.enqueue_indirect_dma source(%dma_start3A_14 : memref<1000000x64xf32, #tpu.memory_space<hbm>>) target(%dma_start3A_8 : memref<640x64xf32, #tpu.memory_space<vmem>>) offsets(%dma_start3A_11 : memref<640xi32, #tpu.memory_space<vmem>>) semaphore(%dma_start3A_16 : memref<!tpu.dma_semaphore, #tpu.memory_space<semaphore_mem>>)
    %dma_start3A_17 = arith.constant 1 : i32
    %dma_start3A_18 = arith.constant 1 : i32
    %dma_start3A_19 = arith.constant 1 : i32
    %dma_start3A_20 = arith.constant 0 : i32
    %dma_start3A_21 = arith.constant 0 : i32
    %dma_start3A_22 = tpu.memref_slice %arg6[%dma_start3A_18, %dma_start3A_20, %dma_start3A_21] : memref<2x640x64xf32, #tpu.memory_space<vmem>> -> memref<1x640x64xf32, #tpu.memory_space<vmem>>
    %dma_start3A_23 = tpu.memref_squeeze %dma_start3A_22 : memref<1x640x64xf32, #tpu.memory_space<vmem>> -> memref<640x64xf32, #tpu.memory_space<vmem>>
    %dma_start3A_24 = arith.constant 0 : i32
    %dma_start3A_25 = tpu.memref_slice %arg5[%dma_start3A_17, %dma_start3A_24] : memref<40x640xi32, #tpu.memory_space<vmem>> -> memref<1x640xi32, #tpu.memory_space<vmem>>
    %dma_start3A_26 = tpu.memref_squeeze %dma_start3A_25 : memref<1x640xi32, #tpu.memory_space<vmem>> -> memref<640xi32, #tpu.memory_space<vmem>>
    %dma_start3A_27 = arith.constant 0 : i32
    %dma_start3A_28 = arith.constant 0 : i32
    %dma_start3A_29 = tpu.memref_slice %arg3[%dma_start3A_27, %dma_start3A_28] : memref<1000000x64xf32, #tpu.memory_space<hbm>> -> memref<1000000x64xf32, #tpu.memory_space<hbm>>
    %dma_start3A_30 = tpu.memref_slice %arg7[%dma_start3A_19] : memref<2x!tpu.dma_semaphore, #tpu.memory_space<semaphore_mem>> -> memref<1x!tpu.dma_semaphore, #tpu.memory_space<semaphore_mem>>
    %dma_start3A_31 = tpu.memref_squeeze %dma_start3A_30 : memref<1x!tpu.dma_semaphore, #tpu.memory_space<semaphore_mem>> -> memref<!tpu.dma_semaphore, #tpu.memory_space<semaphore_mem>>
    tpu.enqueue_indirect_dma source(%dma_start3A_29 : memref<1000000x64xf32, #tpu.memory_space<hbm>>) target(%dma_start3A_23 : memref<640x64xf32, #tpu.memory_space<vmem>>) offsets(%dma_start3A_26 : memref<640xi32, #tpu.memory_space<vmem>>) semaphore(%dma_start3A_31 : memref<!tpu.dma_semaphore, #tpu.memory_space<semaphore_mem>>)
    %scan3A = arith.constant 0 : i32
    %scan3A_32 = arith.constant 0 : i32
    %scan3A_33 = arith.constant 20 : i32
    %scan3A_34 = arith.addi %scan3A_32, %scan3A_33 : i32
    %scan3A_35 = arith.constant 1 : i32
    scf.for %scan3A_68 = %scan3A_32 to %scan3A_34 step %scan3A_35  : i32 {
      %mul3A_69 = arith.constant 2 : i32
      %mul3A_70 = arith.muli %scan3A_68, %mul3A_69 : i32
      %add3A_71 = arith.constant 0 : i32
      %add3A_72 = arith.addi %mul3A_70, %add3A_71 : i32
      %dma_wait3A_73 = arith.constant 0 : i32
      %dma_wait3A_74 = arith.constant 0 : i32
      %dma_wait3A_75 = arith.constant 0 : i32
      %dma_wait3A_76 = arith.constant 0 : i32
      %dma_wait3A_77 = arith.constant 0 : i32
      %dma_wait3A_78 = tpu.memref_slice %arg6[%dma_wait3A_74, %dma_wait3A_76, %dma_wait3A_77] : memref<2x640x64xf32, #tpu.memory_space<vmem>> -> memref<1x640x64xf32, #tpu.memory_space<vmem>>
      %dma_wait3A_79 = tpu.memref_squeeze %dma_wait3A_78 : memref<1x640x64xf32, #tpu.memory_space<vmem>> -> memref<640x64xf32, #tpu.memory_space<vmem>>
      %dma_wait3A_80 = arith.constant 0 : i32
      %dma_wait3A_81 = tpu.memref_slice %arg5[%dma_wait3A_73, %dma_wait3A_80] : memref<40x640xi32, #tpu.memory_space<vmem>> -> memref<1x640xi32, #tpu.memory_space<vmem>>
      %dma_wait3A_82 = tpu.memref_squeeze %dma_wait3A_81 : memref<1x640xi32, #tpu.memory_space<vmem>> -> memref<640xi32, #tpu.memory_space<vmem>>
      %dma_wait3A_83 = arith.constant 0 : i32
      %dma_wait3A_84 = arith.constant 0 : i32
      %dma_wait3A_85 = tpu.memref_slice %arg3[%dma_wait3A_83, %dma_wait3A_84] : memref<1000000x64xf32, #tpu.memory_space<hbm>> -> memref<1000000x64xf32, #tpu.memory_space<hbm>>
      %dma_wait3A_86 = tpu.memref_slice %arg7[%dma_wait3A_75] : memref<2x!tpu.dma_semaphore, #tpu.memory_space<semaphore_mem>> -> memref<1x!tpu.dma_semaphore, #tpu.memory_space<semaphore_mem>>
      %dma_wait3A_87 = tpu.memref_squeeze %dma_wait3A_86 : memref<1x!tpu.dma_semaphore, #tpu.memory_space<semaphore_mem>> -> memref<!tpu.dma_semaphore, #tpu.memory_space<semaphore_mem>>
      tpu.wait_indirect_dma semaphore(%dma_wait3A_87 : memref<!tpu.dma_semaphore, #tpu.memory_space<semaphore_mem>>) src(%dma_wait3A_85 : memref<1000000x64xf32, #tpu.memory_space<hbm>>) dst(%dma_wait3A_79 : memref<640x64xf32, #tpu.memory_space<vmem>>)
      %scan3A_88 = arith.constant 0 : i32
      %scan3A_89 = arith.constant 0 : i32
      %scan3A_90 = arith.constant 40 : i32
      %scan3A_91 = arith.addi %scan3A_89, %scan3A_90 : i32
      %scan3A_92 = arith.constant 2 : i32
      scf.for %scan3A_164 = %scan3A_89 to %scan3A_91 step %scan3A_92  : i32 {
        %mul3A_165 = arith.constant 16 : i32
        %mul3A_166 = arith.muli %scan3A_164, %mul3A_165 : i32
        %get3A = arith.index_cast %add3A_72 : i32 to index
        %get3A_167 = arith.index_cast %mul3A_166 : i32 to index
        %get3A_168 = tpu.vector_load %arg5[%get3A, %get3A_167] {strides = array<i32>} : memref<40x640xi32, #tpu.memory_space<vmem>>, vector<1x16xi32>,
        %get3A_169 = vector.shape_cast %get3A_168 : vector<1x16xi32> to vector<16xi32>
        %ne3A = arith.constant 0 : i32
        %ne3A_170 = vector.broadcast %ne3A : i32 to vector<16xi32>
        %ne3A_171 = arith.cmpi ne, %get3A_169, %ne3A_170 : vector<16xi32>
        %jit3A = arith.constant 8.000000e+00 : f32
        %jit3A_172 = arith.constant 0.000000e+00 : f32
        %broadcast_in_dim3A = vector.broadcast %jit3A : f32 to vector<16xf32>
        %broadcast_in_dim3A_173 = vector.broadcast %jit3A_172 : f32 to vector<16xf32>
        %select_n3A = arith.select %ne3A_171, %broadcast_in_dim3A, %broadcast_in_dim3A_173 : vector<16xi1>, vector<16xf32>
        %scan3A_174 = arith.constant 0 : i32
        %scan3A_175 = arith.constant 0 : i32
        %scan3A_176 = arith.constant 16 : i32
        %scan3A_177 = arith.addi %scan3A_175, %scan3A_176 : i32
        %scan3A_178 = arith.constant 4 : i32
        scf.for %scan3A_202 = %scan3A_175 to %scan3A_177 step %scan3A_178  : i32 {
          %broadcast_in_dim3A_203 = vector.broadcast %scan3A_202 : i32 to vector<16x1xi32>
          %gather3A = vector.shape_cast %broadcast_in_dim3A_203 : vector<16x1xi32> to vector<16xi32>
          %gather3A_204 = tpu.dynamic_gather %select_n3A[%gather3A] in [0] : vector<16xf32>, vector<16xi32> -> vector<16xf32>
          %mul3A_205 = arith.constant 16 : i32
          %mul3A_206 = arith.muli %scan3A_164, %mul3A_205 : i32
          %add3A_207 = arith.addi %mul3A_206, %scan3A_202 : i32
          %get3A_208 = arith.constant 0 : i32
          %get3A_209 = arith.index_cast %get3A_208 : i32 to index
          %get3A_210 = arith.index_cast %add3A_207 : i32 to index
          %get3A_211 = arith.constant 0 : index
          %get3A_212 = tpu.vector_load %arg6[%get3A_209, %get3A_210, %get3A_211] {strides = array<i32>} : memref<2x640x64xf32, #tpu.memory_space<vmem>>, vector<1x1x16xf32>,
          %get3A_213 = vector.shape_cast %get3A_212 : vector<1x1x16xf32> to vector<16xf32>
          %mul3A_214 = arith.mulf %get3A_213, %gather3A_204 : vector<16xf32>
          %swap3A = arith.constant 0 : i32
          %swap3A_215 = arith.index_cast %swap3A : i32 to index
          %swap3A_216 = arith.index_cast %add3A_207 : i32 to index
          %swap3A_217 = arith.constant 0 : index
          %swap3A_218 = tpu.vector_load %arg6[%swap3A_215, %swap3A_216, %swap3A_217] {strides = array<i32>} : memref<2x640x64xf32, #tpu.memory_space<vmem>>, vector<1x1x16xf32>,
          %swap3A_219 = vector.shape_cast %swap3A_218 : vector<1x1x16xf32> to vector<16xf32>
          %swap3A_220 = vector.shape_cast %mul3A_214 : vector<16xf32> to vector<1x1x16xf32>
          tpu.vector_store %arg6[%swap3A_215, %swap3A_216, %swap3A_217], %swap3A_220 {strides = array<i32>} : memref<2x640x64xf32, #tpu.memory_space<vmem>>, vector<1x1x16xf32>,
          %get3A_221 = arith.constant 0 : i32
          %get3A_222 = arith.index_cast %get3A_221 : i32 to index
          %get3A_223 = arith.index_cast %add3A_207 : i32 to index
          %get3A_224 = arith.constant 16 : index
          %get3A_225 = tpu.vector_load %arg6[%get3A_222, %get3A_223, %get3A_224] {strides = array<i32>} : memref<2x640x64xf32, #tpu.memory_space<vmem>>, vector<1x1x16xf32>,
          %get3A_226 = vector.shape_cast %get3A_225 : vector<1x1x16xf32> to vector<16xf32>
          %mul3A_227 = arith.mulf %get3A_226, %gather3A_204 : vector<16xf32>
          %swap3A_228 = arith.constant 0 : i32
          %swap3A_229 = arith.index_cast %swap3A_228 : i32 to index
          %swap3A_230 = arith.index_cast %add3A_207 : i32 to index
          %swap3A_231 = arith.constant 16 : index
          %swap3A_232 = tpu.vector_load %arg6[%swap3A_229, %swap3A_230, %swap3A_231] {strides = array<i32>} : memref<2x640x64xf32, #tpu.memory_space<vmem>>, vector<1x1x16xf32>,
          %swap3A_233 = vector.shape_cast %swap3A_232 : vector<1x1x16xf32> to vector<16xf32>
          %swap3A_234 = vector.shape_cast %mul3A_227 : vector<16xf32> to vector<1x1x16xf32>
          tpu.vector_store %arg6[%swap3A_229, %swap3A_230, %swap3A_231], %swap3A_234 {strides = array<i32>} : memref<2x640x64xf32, #tpu.memory_space<vmem>>, vector<1x1x16xf32>,
          %get3A_235 = arith.constant 0 : i32
          %get3A_236 = arith.index_cast %get3A_235 : i32 to index
          %get3A_237 = arith.index_cast %add3A_207 : i32 to index
          %get3A_238 = arith.constant 32 : index
          %get3A_239 = tpu.vector_load %arg6[%get3A_236, %get3A_237, %get3A_238] {strides = array<i32>} : memref<2x640x64xf32, #tpu.memory_space<vmem>>, vector<1x1x16xf32>,
          %get3A_240 = vector.shape_cast %get3A_239 : vector<1x1x16xf32> to vector<16xf32>
          %mul3A_241 = arith.mulf %get3A_240, %gather3A_204 : vector<16xf32>
          %swap3A_242 = arith.constant 0 : i32
          %swap3A_243 = arith.index_cast %swap3A_242 : i32 to index
          %swap3A_244 = arith.index_cast %add3A_207 : i32 to index
          %swap3A_245 = arith.constant 32 : index
          %swap3A_246 = tpu.vector_load %arg6[%swap3A_243, %swap3A_244, %swap3A_245] {strides = array<i32>} : memref<2x640x64xf32, #tpu.memory_space<vmem>>, vector<1x1x16xf32>,
          %swap3A_247 = vector.shape_cast %swap3A_246 : vector<1x1x16xf32> to vector<16xf32>
          %swap3A_248 = vector.shape_cast %mul3A_241 : vector<16xf32> to vector<1x1x16xf32>
          tpu.vector_store %arg6[%swap3A_243, %swap3A_244, %swap3A_245], %swap3A_248 {strides = array<i32>} : memref<2x640x64xf32, #tpu.memory_space<vmem>>, vector<1x1x16xf32>,
          %get3A_249 = arith.constant 0 : i32
          %get3A_250 = arith.index_cast %get3A_249 : i32 to index
          %get3A_251 = arith.index_cast %add3A_207 : i32 to index
          %get3A_252 = arith.constant 48 : index
          %get3A_253 = tpu.vector_load %arg6[%get3A_250, %get3A_251, %get3A_252] {strides = array<i32>} : memref<2x640x64xf32, #tpu.memory_space<vmem>>, vector<1x1x16xf32>,
          %get3A_254 = vector.shape_cast %get3A_253 : vector<1x1x16xf32> to vector<16xf32>
          %mul3A_255 = arith.mulf %get3A_254, %gather3A_204 : vector<16xf32>
          %swap3A_256 = arith.constant 0 : i32
          %swap3A_257 = arith.index_cast %swap3A_256 : i32 to index
          %swap3A_258 = arith.index_cast %add3A_207 : i32 to index
          %swap3A_259 = arith.constant 48 : index
          %swap3A_260 = tpu.vector_load %arg6[%swap3A_257, %swap3A_258, %swap3A_259] {strides = array<i32>} : memref<2x640x64xf32, #tpu.memory_space<vmem>>, vector<1x1x16xf32>,
          %swap3A_261 = vector.shape_cast %swap3A_260 : vector<1x1x16xf32> to vector<16xf32>
          %swap3A_262 = vector.shape_cast %mul3A_255 : vector<16xf32> to vector<1x1x16xf32>
          tpu.vector_store %arg6[%swap3A_257, %swap3A_258, %swap3A_259], %swap3A_262 {strides = array<i32>} : memref<2x640x64xf32, #tpu.memory_space<vmem>>, vector<1x1x16xf32>,
          %scan3A_263 = arith.constant 1 : i32
          %scan3A_264 = arith.addi %scan3A_202, %scan3A_263 : i32
          %broadcast_in_dim3A_265 = vector.broadcast %scan3A_264 : i32 to vector<16x1xi32>
          %gather3A_266 = vector.shape_cast %broadcast_in_dim3A_265 : vector<16x1xi32> to vector<16xi32>
          %gather3A_267 = tpu.dynamic_gather %select_n3A[%gather3A_266] in [0] : vector<16xf32>, vector<16xi32> -> vector<16xf32>
          %mul3A_268 = arith.constant 16 : i32
          %mul3A_269 = arith.muli %scan3A_164, %mul3A_268 : i32
          %add3A_270 = arith.addi %mul3A_269, %scan3A_264 : i32
          %get3A_271 = arith.constant 0 : i32
          %get3A_272 = arith.index_cast %get3A_271 : i32 to index
          %get3A_273 = arith.index_cast %add3A_270 : i32 to index
          %get3A_274 = arith.constant 0 : index
          %get3A_275 = tpu.vector_load %arg6[%get3A_272, %get3A_273, %get3A_274] {strides = array<i32>} : memref<2x640x64xf32, #tpu.memory_space<vmem>>, vector<1x1x16xf32>,
          %get3A_276 = vector.shape_cast %get3A_275 : vector<1x1x16xf32> to vector<16xf32>
          %mul3A_277 = arith.mulf %get3A_276, %gather3A_267 : vector<16xf32>
          %swap3A_278 = arith.constant 0 : i32
          %swap3A_279 = arith.index_cast %swap3A_278 : i32 to index
          %swap3A_280 = arith.index_cast %add3A_270 : i32 to index
          %swap3A_281 = arith.constant 0 : index
          %swap3A_282 = tpu.vector_load %arg6[%swap3A_279, %swap3A_280, %swap3A_281] {strides = array<i32>} : memref<2x640x64xf32, #tpu.memory_space<vmem>>, vector<1x1x16xf32>,
          %swap3A_283 = vector.shape_cast %swap3A_282 : vector<1x1x16xf32> to vector<16xf32>
          %swap3A_284 = vector.shape_cast %mul3A_277 : vector<16xf32> to vector<1x1x16xf32>
          tpu.vector_store %arg6[%swap3A_279, %swap3A_280, %swap3A_281], %swap3A_284 {strides = array<i32>} : memref<2x640x64xf32, #tpu.memory_space<vmem>>, vector<1x1x16xf32>,
          %get3A_285 = arith.constant 0 : i32
          %get3A_286 = arith.index_cast %get3A_285 : i32 to index
          %get3A_287 = arith.index_cast %add3A_270 : i32 to index
          %get3A_288 = arith.constant 16 : index
          %get3A_289 = tpu.vector_load %arg6[%get3A_286, %get3A_287, %get3A_288] {strides = array<i32>} : memref<2x640x64xf32, #tpu.memory_space<vmem>>, vector<1x1x16xf32>,
          %get3A_290 = vector.shape_cast %get3A_289 : vector<1x1x16xf32> to vector<16xf32>
          %mul3A_291 = arith.mulf %get3A_290, %gather3A_267 : vector<16xf32>
          %swap3A_292 = arith.constant 0 : i32
          %swap3A_293 = arith.index_cast %swap3A_292 : i32 to index
          %swap3A_294 = arith.index_cast %add3A_270 : i32 to index
          %swap3A_295 = arith.constant 16 : index
          %swap3A_296 = tpu.vector_load %arg6[%swap3A_293, %swap3A_294, %swap3A_295] {strides = array<i32>} : memref<2x640x64xf32, #tpu.memory_space<vmem>>, vector<1x1x16xf32>,
          %swap3A_297 = vector.shape_cast %swap3A_296 : vector<1x1x16xf32> to vector<16xf32>
          %swap3A_298 = vector.shape_cast %mul3A_291 : vector<16xf32> to vector<1x1x16xf32>
          tpu.vector_store %arg6[%swap3A_293, %swap3A_294, %swap3A_295], %swap3A_298 {strides = array<i32>} : memref<2x640x64xf32, #tpu.memory_space<vmem>>, vector<1x1x16xf32>,
          %get3A_299 = arith.constant 0 : i32
          %get3A_300 = arith.index_cast %get3A_299 : i32 to index
          %get3A_301 = arith.index_cast %add3A_270 : i32 to index
          %get3A_302 = arith.constant 32 : index
          %get3A_303 = tpu.vector_load %arg6[%get3A_300, %get3A_301, %get3A_302] {strides = array<i32>} : memref<2x640x64xf32, #tpu.memory_space<vmem>>, vector<1x1x16xf32>,
          %get3A_304 = vector.shape_cast %get3A_303 : vector<1x1x16xf32> to vector<16xf32>
          %mul3A_305 = arith.mulf %get3A_304, %gather3A_267 : vector<16xf32>
          %swap3A_306 = arith.constant 0 : i32
          %swap3A_307 = arith.index_cast %swap3A_306 : i32 to index
          %swap3A_308 = arith.index_cast %add3A_270 : i32 to index
          %swap3A_309 = arith.constant 32 : index
          %swap3A_310 = tpu.vector_load %arg6[%swap3A_307, %swap3A_308, %swap3A_309] {strides = array<i32>} : memref<2x640x64xf32, #tpu.memory_space<vmem>>, vector<1x1x16xf32>,
          %swap3A_311 = vector.shape_cast %swap3A_310 : vector<1x1x16xf32> to vector<16xf32>
          %swap3A_312 = vector.shape_cast %mul3A_305 : vector<16xf32> to vector<1x1x16xf32>
          tpu.vector_store %arg6[%swap3A_307, %swap3A_308, %swap3A_309], %swap3A_312 {strides = array<i32>} : memref<2x640x64xf32, #tpu.memory_space<vmem>>, vector<1x1x16xf32>,
          %get3A_313 = arith.constant 0 : i32
          %get3A_314 = arith.index_cast %get3A_313 : i32 to index
          %get3A_315 = arith.index_cast %add3A_270 : i32 to index
          %get3A_316 = arith.constant 48 : index
          %get3A_317 = tpu.vector_load %arg6[%get3A_314, %get3A_315, %get3A_316] {strides = array<i32>} : memref<2x640x64xf32, #tpu.memory_space<vmem>>, vector<1x1x16xf32>,
          %get3A_318 = vector.shape_cast %get3A_317 : vector<1x1x16xf32> to vector<16xf32>
          %mul3A_319 = arith.mulf %get3A_318, %gather3A_267 : vector<16xf32>
          %swap3A_320 = arith.constant 0 : i32
          %swap3A_321 = arith.index_cast %swap3A_320 : i32 to index
          %swap3A_322 = arith.index_cast %add3A_270 : i32 to index
          %swap3A_323 = arith.constant 48 : index
          %swap3A_324 = tpu.vector_load %arg6[%swap3A_321, %swap3A_322, %swap3A_323] {strides = array<i32>} : memref<2x640x64xf32, #tpu.memory_space<vmem>>, vector<1x1x16xf32>,
          %swap3A_325 = vector.shape_cast %swap3A_324 : vector<1x1x16xf32> to vector<16xf32>
          %swap3A_326 = vector.shape_cast %mul3A_319 : vector<16xf32> to vector<1x1x16xf32>
          tpu.vector_store %arg6[%swap3A_321, %swap3A_322, %swap3A_323], %swap3A_326 {strides = array<i32>} : memref<2x640x64xf32, #tpu.memory_space<vmem>>, vector<1x1x16xf32>,
          %scan3A_327 = arith.constant 2 : i32
          %scan3A_328 = arith.addi %scan3A_202, %scan3A_327 : i32
          %broadcast_in_dim3A_329 = vector.broadcast %scan3A_328 : i32 to vector<16x1xi32>
          %gather3A_330 = vector.shape_cast %broadcast_in_dim3A_329 : vector<16x1xi32> to vector<16xi32>
          %gather3A_331 = tpu.dynamic_gather %select_n3A[%gather3A_330] in [0] : vector<16xf32>, vector<16xi32> -> vector<16xf32>
          %mul3A_332 = arith.constant 16 : i32
          %mul3A_333 = arith.muli %scan3A_164, %mul3A_332 : i32
          %add3A_334 = arith.addi %mul3A_333, %scan3A_328 : i32
          %get3A_335 = arith.constant 0 : i32
          %get3A_336 = arith.index_cast %get3A_335 : i32 to index
          %get3A_337 = arith.index_cast %add3A_334 : i32 to index
          %get3A_338 = arith.constant 0 : index
          %get3A_339 = tpu.vector_load %arg6[%get3A_336, %get3A_337, %get3A_338] {strides = array<i32>} : memref<2x640x64xf32, #tpu.memory_space<vmem>>, vector<1x1x16xf32>,
          %get3A_340 = vector.shape_cast %get3A_339 : vector<1x1x16xf32> to vector<16xf32>
          %mul3A_341 = arith.mulf %get3A_340, %gather3A_331 : vector<16xf32>
          %swap3A_342 = arith.constant 0 : i32
          %swap3A_343 = arith.index_cast %swap3A_342 : i32 to index
          %swap3A_344 = arith.index_cast %add3A_334 : i32 to index
          %swap3A_345 = arith.constant 0 : index
          %swap3A_346 = tpu.vector_load %arg6[%swap3A_343, %swap3A_344, %swap3A_345] {strides = array<i32>} : memref<2x640x64xf32, #tpu.memory_space<vmem>>, vector<1x1x16xf32>,
          %swap3A_347 = vector.shape_cast %swap3A_346 : vector<1x1x16xf32> to vector<16xf32>
          %swap3A_348 = vector.shape_cast %mul3A_341 : vector<16xf32> to vector<1x1x16xf32>
          tpu.vector_store %arg6[%swap3A_343, %swap3A_344, %swap3A_345], %swap3A_348 {strides = array<i32>} : memref<2x640x64xf32, #tpu.memory_space<vmem>>, vector<1x1x16xf32>,
          %get3A_349 = arith.constant 0 : i32
          %get3A_350 = arith.index_cast %get3A_349 : i32 to index
          %get3A_351 = arith.index_cast %add3A_334 : i32 to index
          %get3A_352 = arith.constant 16 : index
          %get3A_353 = tpu.vector_load %arg6[%get3A_350, %get3A_351, %get3A_352] {strides = array<i32>} : memref<2x640x64xf32, #tpu.memory_space<vmem>>, vector<1x1x16xf32>,
          %get3A_354 = vector.shape_cast %get3A_353 : vector<1x1x16xf32> to vector<16xf32>
          %mul3A_355 = arith.mulf %get3A_354, %gather3A_331 : vector<16xf32>
          %swap3A_356 = arith.constant 0 : i32
          %swap3A_357 = arith.index_cast %swap3A_356 : i32 to index
          %swap3A_358 = arith.index_cast %add3A_334 : i32 to index
          %swap3A_359 = arith.constant 16 : index
          %swap3A_360 = tpu.vector_load %arg6[%swap3A_357, %swap3A_358, %swap3A_359] {strides = array<i32>} : memref<2x640x64xf32, #tpu.memory_space<vmem>>, vector<1x1x16xf32>,
          %swap3A_361 = vector.shape_cast %swap3A_360 : vector<1x1x16xf32> to vector<16xf32>
          %swap3A_362 = vector.shape_cast %mul3A_355 : vector<16xf32> to vector<1x1x16xf32>
          tpu.vector_store %arg6[%swap3A_357, %swap3A_358, %swap3A_359], %swap3A_362 {strides = array<i32>} : memref<2x640x64xf32, #tpu.memory_space<vmem>>, vector<1x1x16xf32>,
          %get3A_363 = arith.constant 0 : i32
          %get3A_364 = arith.index_cast %get3A_363 : i32 to index
          %get3A_365 = arith.index_cast %add3A_334 : i32 to index
          %get3A_366 = arith.constant 32 : index
          %get3A_367 = tpu.vector_load %arg6[%get3A_364, %get3A_365, %get3A_366] {strides = array<i32>} : memref<2x640x64xf32, #tpu.memory_space<vmem>>, vector<1x1x16xf32>,
          %get3A_368 = vector.shape_cast %get3A_367 : vector<1x1x16xf32> to vector<16xf32>
          %mul3A_369 = arith.mulf %get3A_368, %gather3A_331 : vector<16xf32>
          %swap3A_370 = arith.constant 0 : i32
          %swap3A_371 = arith.index_cast %swap3A_370 : i32 to index
          %swap3A_372 = arith.index_cast %add3A_334 : i32 to index
          %swap3A_373 = arith.constant 32 : index
          %swap3A_374 = tpu.vector_load %arg6[%swap3A_371, %swap3A_372, %swap3A_373] {strides = array<i32>} : memref<2x640x64xf32, #tpu.memory_space<vmem>>, vector<1x1x16xf32>,
          %swap3A_375 = vector.shape_cast %swap3A_374 : vector<1x1x16xf32> to vector<16xf32>
          %swap3A_376 = vector.shape_cast %mul3A_369 : vector<16xf32> to vector<1x1x16xf32>
          tpu.vector_store %arg6[%swap3A_371, %swap3A_372, %swap3A_373], %swap3A_376 {strides = array<i32>} : memref<2x640x64xf32, #tpu.memory_space<vmem>>, vector<1x1x16xf32>,
          %get3A_377 = arith.constant 0 : i32
          %get3A_378 = arith.index_cast %get3A_377 : i32 to index
          %get3A_379 = arith.index_cast %add3A_334 : i32 to index
          %get3A_380 = arith.constant 48 : index
          %get3A_381 = tpu.vector_load %arg6[%get3A_378, %get3A_379, %get3A_380] {strides = array<i32>} : memref<2x640x64xf32, #tpu.memory_space<vmem>>, vector<1x1x16xf32>,
          %get3A_382 = vector.shape_cast %get3A_381 : vector<1x1x16xf32> to vector<16xf32>
          %mul3A_383 = arith.mulf %get3A_382, %gather3A_331 : vector<16xf32>
          %swap3A_384 = arith.constant 0 : i32
          %swap3A_385 = arith.index_cast %swap3A_384 : i32 to index
          %swap3A_386 = arith.index_cast %add3A_334 : i32 to index
          %swap3A_387 = arith.constant 48 : index
          %swap3A_388 = tpu.vector_load %arg6[%swap3A_385, %swap3A_386, %swap3A_387] {strides = array<i32>} : memref<2x640x64xf32, #tpu.memory_space<vmem>>, vector<1x1x16xf32>,
          %swap3A_389 = vector.shape_cast %swap3A_388 : vector<1x1x16xf32> to vector<16xf32>
          %swap3A_390 = vector.shape_cast %mul3A_383 : vector<16xf32> to vector<1x1x16xf32>
          tpu.vector_store %arg6[%swap3A_385, %swap3A_386, %swap3A_387], %swap3A_390 {strides = array<i32>} : memref<2x640x64xf32, #tpu.memory_space<vmem>>, vector<1x1x16xf32>,
          %scan3A_391 = arith.constant 3 : i32
          %scan3A_392 = arith.addi %scan3A_202, %scan3A_391 : i32
          %broadcast_in_dim3A_393 = vector.broadcast %scan3A_392 : i32 to vector<16x1xi32>
          %gather3A_394 = vector.shape_cast %broadcast_in_dim3A_393 : vector<16x1xi32> to vector<16xi32>
          %gather3A_395 = tpu.dynamic_gather %select_n3A[%gather3A_394] in [0] : vector<16xf32>, vector<16xi32> -> vector<16xf32>
          %mul3A_396 = arith.constant 16 : i32
          %mul3A_397 = arith.muli %scan3A_164, %mul3A_396 : i32
          %add3A_398 = arith.addi %mul3A_397, %scan3A_392 : i32
          %get3A_399 = arith.constant 0 : i32
          %get3A_400 = arith.index_cast %get3A_399 : i32 to index
          %get3A_401 = arith.index_cast %add3A_398 : i32 to index
          %get3A_402 = arith.constant 0 : index
          %get3A_403 = tpu.vector_load %arg6[%get3A_400, %get3A_401, %get3A_402] {strides = array<i32>} : memref<2x640x64xf32, #tpu.memory_space<vmem>>, vector<1x1x16xf32>,
          %get3A_404 = vector.shape_cast %get3A_403 : vector<1x1x16xf32> to vector<16xf32>
          %mul3A_405 = arith.mulf %get3A_404, %gather3A_395 : vector<16xf32>
          %swap3A_406 = arith.constant 0 : i32
          %swap3A_407 = arith.index_cast %swap3A_406 : i32 to index
          %swap3A_408 = arith.index_cast %add3A_398 : i32 to index
          %swap3A_409 = arith.constant 0 : index
          %swap3A_410 = tpu.vector_load %arg6[%swap3A_407, %swap3A_408, %swap3A_409] {strides = array<i32>} : memref<2x640x64xf32, #tpu.memory_space<vmem>>, vector<1x1x16xf32>,
          %swap3A_411 = vector.shape_cast %swap3A_410 : vector<1x1x16xf32> to vector<16xf32>
          %swap3A_412 = vector.shape_cast %mul3A_405 : vector<16xf32> to vector<1x1x16xf32>
          tpu.vector_store %arg6[%swap3A_407, %swap3A_408, %swap3A_409], %swap3A_412 {strides = array<i32>} : memref<2x640x64xf32, #tpu.memory_space<vmem>>, vector<1x1x16xf32>,
          %get3A_413 = arith.constant 0 : i32
          %get3A_414 = arith.index_cast %get3A_413 : i32 to index
          %get3A_415 = arith.index_cast %add3A_398 : i32 to index
          %get3A_416 = arith.constant 16 : index
          %get3A_417 = tpu.vector_load %arg6[%get3A_414, %get3A_415, %get3A_416] {strides = array<i32>} : memref<2x640x64xf32, #tpu.memory_space<vmem>>, vector<1x1x16xf32>,
          %get3A_418 = vector.shape_cast %get3A_417 : vector<1x1x16xf32> to vector<16xf32>
          %mul3A_419 = arith.mulf %get3A_418, %gather3A_395 : vector<16xf32>
          %swap3A_420 = arith.constant 0 : i32
          %swap3A_421 = arith.index_cast %swap3A_420 : i32 to index
          %swap3A_422 = arith.index_cast %add3A_398 : i32 to index
          %swap3A_423 = arith.constant 16 : index
          %swap3A_424 = tpu.vector_load %arg6[%swap3A_421, %swap3A_422, %swap3A_423] {strides = array<i32>} : memref<2x640x64xf32, #tpu.memory_space<vmem>>, vector<1x1x16xf32>,
          %swap3A_425 = vector.shape_cast %swap3A_424 : vector<1x1x16xf32> to vector<16xf32>
          %swap3A_426 = vector.shape_cast %mul3A_419 : vector<16xf32> to vector<1x1x16xf32>
          tpu.vector_store %arg6[%swap3A_421, %swap3A_422, %swap3A_423], %swap3A_426 {strides = array<i32>} : memref<2x640x64xf32, #tpu.memory_space<vmem>>, vector<1x1x16xf32>,
          %get3A_427 = arith.constant 0 : i32
          %get3A_428 = arith.index_cast %get3A_427 : i32 to index
          %get3A_429 = arith.index_cast %add3A_398 : i32 to index
          %get3A_430 = arith.constant 32 : index
          %get3A_431 = tpu.vector_load %arg6[%get3A_428, %get3A_429, %get3A_430] {strides = array<i32>} : memref<2x640x64xf32, #tpu.memory_space<vmem>>, vector<1x1x16xf32>,
          %get3A_432 = vector.shape_cast %get3A_431 : vector<1x1x16xf32> to vector<16xf32>
          %mul3A_433 = arith.mulf %get3A_432, %gather3A_395 : vector<16xf32>
          %swap3A_434 = arith.constant 0 : i32
          %swap3A_435 = arith.index_cast %swap3A_434 : i32 to index
          %swap3A_436 = arith.index_cast %add3A_398 : i32 to index
          %swap3A_437 = arith.constant 32 : index
          %swap3A_438 = tpu.vector_load %arg6[%swap3A_435, %swap3A_436, %swap3A_437] {strides = array<i32>} : memref<2x640x64xf32, #tpu.memory_space<vmem>>, vector<1x1x16xf32>,
          %swap3A_439 = vector.shape_cast %swap3A_438 : vector<1x1x16xf32> to vector<16xf32>
          %swap3A_440 = vector.shape_cast %mul3A_433 : vector<16xf32> to vector<1x1x16xf32>
          tpu.vector_store %arg6[%swap3A_435, %swap3A_436, %swap3A_437], %swap3A_440 {strides = array<i32>} : memref<2x640x64xf32, #tpu.memory_space<vmem>>, vector<1x1x16xf32>,
          %get3A_441 = arith.constant 0 : i32
          %get3A_442 = arith.index_cast %get3A_441 : i32 to index
          %get3A_443 = arith.index_cast %add3A_398 : i32 to index
          %get3A_444 = arith.constant 48 : index
          %get3A_445 = tpu.vector_load %arg6[%get3A_442, %get3A_443, %get3A_444] {strides = array<i32>} : memref<2x640x64xf32, #tpu.memory_space<vmem>>, vector<1x1x16xf32>,
          %get3A_446 = vector.shape_cast %get3A_445 : vector<1x1x16xf32> to vector<16xf32>
          %mul3A_447 = arith.mulf %get3A_446, %gather3A_395 : vector<16xf32>
          %swap3A_448 = arith.constant 0 : i32
          %swap3A_449 = arith.index_cast %swap3A_448 : i32 to index
          %swap3A_450 = arith.index_cast %add3A_398 : i32 to index
          %swap3A_451 = arith.constant 48 : index
          %swap3A_452 = tpu.vector_load %arg6[%swap3A_449, %swap3A_450, %swap3A_451] {strides = array<i32>} : memref<2x640x64xf32, #tpu.memory_space<vmem>>, vector<1x1x16xf32>,
          %swap3A_453 = vector.shape_cast %swap3A_452 : vector<1x1x16xf32> to vector<16xf32>
          %swap3A_454 = vector.shape_cast %mul3A_447 : vector<16xf32> to vector<1x1x16xf32>
          tpu.vector_store %arg6[%swap3A_449, %swap3A_450, %swap3A_451], %swap3A_454 {strides = array<i32>} : memref<2x640x64xf32, #tpu.memory_space<vmem>>, vector<1x1x16xf32>,
        }
        %scan3A_179 = arith.constant 16 : i32
        %scan3A_180 = arith.constant 1 : i32
        %scan3A_181 = arith.addi %scan3A_164, %scan3A_180 : i32
        %mul3A_182 = arith.constant 16 : i32
        %mul3A_183 = arith.muli %scan3A_181, %mul3A_182 : i32
        %get3A_184 = arith.index_cast %add3A_72 : i32 to index
        %get3A_185 = arith.index_cast %mul3A_183 : i32 to index
        %get3A_186 = tpu.vector_load %arg5[%get3A_184, %get3A_185] {strides = array<i32>} : memref<40x640xi32, #tpu.memory_space<vmem>>, vector<1x16xi32>,
        %get3A_187 = vector.shape_cast %get3A_186 : vector<1x16xi32> to vector<16xi32>
        %ne3A_188 = arith.constant 0 : i32
        %ne3A_189 = vector.broadcast %ne3A_188 : i32 to vector<16xi32>
        %ne3A_190 = arith.cmpi ne, %get3A_187, %ne3A_189 : vector<16xi32>
        %jit3A_191 = arith.constant 8.000000e+00 : f32
        %jit3A_192 = arith.constant 0.000000e+00 : f32
        %broadcast_in_dim3A_193 = vector.broadcast %jit3A_191 : f32 to vector<16xf32>
        %broadcast_in_dim3A_194 = vector.broadcast %jit3A_192 : f32 to vector<16xf32>
        %select_n3A_195 = arith.select %ne3A_190, %broadcast_in_dim3A_193, %broadcast_in_dim3A_194 : vector<16xi1>, vector<16xf32>
        %scan3A_196 = arith.constant 0 : i32
        %scan3A_197 = arith.constant 0 : i32
        %scan3A_198 = arith.constant 16 : i32
        %scan3A_199 = arith.addi %scan3A_197, %scan3A_198 : i32
        %scan3A_200 = arith.constant 4 : i32
        scf.for %scan3A_202 = %scan3A_197 to %scan3A_199 step %scan3A_200  : i32 {
          %broadcast_in_dim3A_203 = vector.broadcast %scan3A_202 : i32 to vector<16x1xi32>
          %gather3A = vector.shape_cast %broadcast_in_dim3A_203 : vector<16x1xi32> to vector<16xi32>
          %gather3A_204 = tpu.dynamic_gather %select_n3A_195[%gather3A] in [0] : vector<16xf32>, vector<16xi32> -> vector<16xf32>
          %mul3A_205 = arith.constant 16 : i32
          %mul3A_206 = arith.muli %scan3A_181, %mul3A_205 : i32
          %add3A_207 = arith.addi %mul3A_206, %scan3A_202 : i32
          %get3A_208 = arith.constant 0 : i32
          %get3A_209 = arith.index_cast %get3A_208 : i32 to index
          %get3A_210 = arith.index_cast %add3A_207 : i32 to index
          %get3A_211 = arith.constant 0 : index
          %get3A_212 = tpu.vector_load %arg6[%get3A_209, %get3A_210, %get3A_211] {strides = array<i32>} : memref<2x640x64xf32, #tpu.memory_space<vmem>>, vector<1x1x16xf32>,
          %get3A_213 = vector.shape_cast %get3A_212 : vector<1x1x16xf32> to vector<16xf32>
          %mul3A_214 = arith.mulf %get3A_213, %gather3A_204 : vector<16xf32>
          %swap3A = arith.constant 0 : i32
          %swap3A_215 = arith.index_cast %swap3A : i32 to index
          %swap3A_216 = arith.index_cast %add3A_207 : i32 to index
          %swap3A_217 = arith.constant 0 : index
          %swap3A_218 = tpu.vector_load %arg6[%swap3A_215, %swap3A_216, %swap3A_217] {strides = array<i32>} : memref<2x640x64xf32, #tpu.memory_space<vmem>>, vector<1x1x16xf32>,
          %swap3A_219 = vector.shape_cast %swap3A_218 : vector<1x1x16xf32> to vector<16xf32>
          %swap3A_220 = vector.shape_cast %mul3A_214 : vector<16xf32> to vector<1x1x16xf32>
          tpu.vector_store %arg6[%swap3A_215, %swap3A_216, %swap3A_217], %swap3A_220 {strides = array<i32>} : memref<2x640x64xf32, #tpu.memory_space<vmem>>, vector<1x1x16xf32>,
          %get3A_221 = arith.constant 0 : i32
          %get3A_222 = arith.index_cast %get3A_221 : i32 to index
          %get3A_223 = arith.index_cast %add3A_207 : i32 to index
          %get3A_224 = arith.constant 16 : index
          %get3A_225 = tpu.vector_load %arg6[%get3A_222, %get3A_223, %get3A_224] {strides = array<i32>} : memref<2x640x64xf32, #tpu.memory_space<vmem>>, vector<1x1x16xf32>,
          %get3A_226 = vector.shape_cast %get3A_225 : vector<1x1x16xf32> to vector<16xf32>
          %mul3A_227 = arith.mulf %get3A_226, %gather3A_204 : vector<16xf32>
          %swap3A_228 = arith.constant 0 : i32
          %swap3A_229 = arith.index_cast %swap3A_228 : i32 to index
          %swap3A_230 = arith.index_cast %add3A_207 : i32 to index
          %swap3A_231 = arith.constant 16 : index
          %swap3A_232 = tpu.vector_load %arg6[%swap3A_229, %swap3A_230, %swap3A_231] {strides = array<i32>} : memref<2x640x64xf32, #tpu.memory_space<vmem>>, vector<1x1x16xf32>,
          %swap3A_233 = vector.shape_cast %swap3A_232 : vector<1x1x16xf32> to vector<16xf32>
          %swap3A_234 = vector.shape_cast %mul3A_227 : vector<16xf32> to vector<1x1x16xf32>
          tpu.vector_store %arg6[%swap3A_229, %swap3A_230, %swap3A_231], %swap3A_234 {strides = array<i32>} : memref<2x640x64xf32, #tpu.memory_space<vmem>>, vector<1x1x16xf32>,
          %get3A_235 = arith.constant 0 : i32
          %get3A_236 = arith.index_cast %get3A_235 : i32 to index
          %get3A_237 = arith.index_cast %add3A_207 : i32 to index
          %get3A_238 = arith.constant 32 : index
          %get3A_239 = tpu.vector_load %arg6[%get3A_236, %get3A_237, %get3A_238] {strides = array<i32>} : memref<2x640x64xf32, #tpu.memory_space<vmem>>, vector<1x1x16xf32>,
          %get3A_240 = vector.shape_cast %get3A_239 : vector<1x1x16xf32> to vector<16xf32>
          %mul3A_241 = arith.mulf %get3A_240, %gather3A_204 : vector<16xf32>
          %swap3A_242 = arith.constant 0 : i32
          %swap3A_243 = arith.index_cast %swap3A_242 : i32 to index
          %swap3A_244 = arith.index_cast %add3A_207 : i32 to index
          %swap3A_245 = arith.constant 32 : index
          %swap3A_246 = tpu.vector_load %arg6[%swap3A_243, %swap3A_244, %swap3A_245] {strides = array<i32>} : memref<2x640x64xf32, #tpu.memory_space<vmem>>, vector<1x1x16xf32>,
          %swap3A_247 = vector.shape_cast %swap3A_246 : vector<1x1x16xf32> to vector<16xf32>
          %swap3A_248 = vector.shape_cast %mul3A_241 : vector<16xf32> to vector<1x1x16xf32>
          tpu.vector_store %arg6[%swap3A_243, %swap3A_244, %swap3A_245], %swap3A_248 {strides = array<i32>} : memref<2x640x64xf32, #tpu.memory_space<vmem>>, vector<1x1x16xf32>,
          %get3A_249 = arith.constant 0 : i32
          %get3A_250 = arith.index_cast %get3A_249 : i32 to index
          %get3A_251 = arith.index_cast %add3A_207 : i32 to index
          %get3A_252 = arith.constant 48 : index
          %get3A_253 = tpu.vector_load %arg6[%get3A_250, %get3A_251, %get3A_252] {strides = array<i32>} : memref<2x640x64xf32, #tpu.memory_space<vmem>>, vector<1x1x16xf32>,
          %get3A_254 = vector.shape_cast %get3A_253 : vector<1x1x16xf32> to vector<16xf32>
          %mul3A_255 = arith.mulf %get3A_254, %gather3A_204 : vector<16xf32>
          %swap3A_256 = arith.constant 0 : i32
          %swap3A_257 = arith.index_cast %swap3A_256 : i32 to index
          %swap3A_258 = arith.index_cast %add3A_207 : i32 to index
          %swap3A_259 = arith.constant 48 : index
          %swap3A_260 = tpu.vector_load %arg6[%swap3A_257, %swap3A_258, %swap3A_259] {strides = array<i32>} : memref<2x640x64xf32, #tpu.memory_space<vmem>>, vector<1x1x16xf32>,
          %swap3A_261 = vector.shape_cast %swap3A_260 : vector<1x1x16xf32> to vector<16xf32>
          %swap3A_262 = vector.shape_cast %mul3A_255 : vector<16xf32> to vector<1x1x16xf32>
          tpu.vector_store %arg6[%swap3A_257, %swap3A_258, %swap3A_259], %swap3A_262 {strides = array<i32>} : memref<2x640x64xf32, #tpu.memory_space<vmem>>, vector<1x1x16xf32>,
          %scan3A_263 = arith.constant 1 : i32
          %scan3A_264 = arith.addi %scan3A_202, %scan3A_263 : i32
          %broadcast_in_dim3A_265 = vector.broadcast %scan3A_264 : i32 to vector<16x1xi32>
          %gather3A_266 = vector.shape_cast %broadcast_in_dim3A_265 : vector<16x1xi32> to vector<16xi32>
          %gather3A_267 = tpu.dynamic_gather %select_n3A_195[%gather3A_266] in [0] : vector<16xf32>, vector<16xi32> -> vector<16xf32>
          %mul3A_268 = arith.constant 16 : i32
          %mul3A_269 = arith.muli %scan3A_181, %mul3A_268 : i32
          %add3A_270 = arith.addi %mul3A_269, %scan3A_264 : i32
          %get3A_271 = arith.constant 0 : i32
          %get3A_272 = arith.index_cast %get3A_271 : i32 to index
          %get3A_273 = arith.index_cast %add3A_270 : i32 to index
          %get3A_274 = arith.constant 0 : index
          %get3A_275 = tpu.vector_load %arg6[%get3A_272, %get3A_273, %get3A_274] {strides = array<i32>} : memref<2x640x64xf32, #tpu.memory_space<vmem>>, vector<1x1x16xf32>,
          %get3A_276 = vector.shape_cast %get3A_275 : vector<1x1x16xf32> to vector<16xf32>
          %mul3A_277 = arith.mulf %get3A_276, %gather3A_267 : vector<16xf32>
          %swap3A_278 = arith.constant 0 : i32
          %swap3A_279 = arith.index_cast %swap3A_278 : i32 to index
          %swap3A_280 = arith.index_cast %add3A_270 : i32 to index
          %swap3A_281 = arith.constant 0 : index
          %swap3A_282 = tpu.vector_load %arg6[%swap3A_279, %swap3A_280, %swap3A_281] {strides = array<i32>} : memref<2x640x64xf32, #tpu.memory_space<vmem>>, vector<1x1x16xf32>,
          %swap3A_283 = vector.shape_cast %swap3A_282 : vector<1x1x16xf32> to vector<16xf32>
          %swap3A_284 = vector.shape_cast %mul3A_277 : vector<16xf32> to vector<1x1x16xf32>
          tpu.vector_store %arg6[%swap3A_279, %swap3A_280, %swap3A_281], %swap3A_284 {strides = array<i32>} : memref<2x640x64xf32, #tpu.memory_space<vmem>>, vector<1x1x16xf32>,
          %get3A_285 = arith.constant 0 : i32
          %get3A_286 = arith.index_cast %get3A_285 : i32 to index
          %get3A_287 = arith.index_cast %add3A_270 : i32 to index
          %get3A_288 = arith.constant 16 : index
          %get3A_289 = tpu.vector_load %arg6[%get3A_286, %get3A_287, %get3A_288] {strides = array<i32>} : memref<2x640x64xf32, #tpu.memory_space<vmem>>, vector<1x1x16xf32>,
          %get3A_290 = vector.shape_cast %get3A_289 : vector<1x1x16xf32> to vector<16xf32>
          %mul3A_291 = arith.mulf %get3A_290, %gather3A_267 : vector<16xf32>
          %swap3A_292 = arith.constant 0 : i32
          %swap3A_293 = arith.index_cast %swap3A_292 : i32 to index
          %swap3A_294 = arith.index_cast %add3A_270 : i32 to index
          %swap3A_295 = arith.constant 16 : index
          %swap3A_296 = tpu.vector_load %arg6[%swap3A_293, %swap3A_294, %swap3A_295] {strides = array<i32>} : memref<2x640x64xf32, #tpu.memory_space<vmem>>, vector<1x1x16xf32>,
          %swap3A_297 = vector.shape_cast %swap3A_296 : vector<1x1x16xf32> to vector<16xf32>
          %swap3A_298 = vector.shape_cast %mul3A_291 : vector<16xf32> to vector<1x1x16xf32>
          tpu.vector_store %arg6[%swap3A_293, %swap3A_294, %swap3A_295], %swap3A_298 {strides = array<i32>} : memref<2x640x64xf32, #tpu.memory_space<vmem>>, vector<1x1x16xf32>,
          %get3A_299 = arith.constant 0 : i32
          %get3A_300 = arith.index_cast %get3A_299 : i32 to index
          %get3A_301 = arith.index_cast %add3A_270 : i32 to index
          %get3A_302 = arith.constant 32 : index
          %get3A_303 = tpu.vector_load %arg6[%get3A_300, %get3A_301, %get3A_302] {strides = array<i32>} : memref<2x640x64xf32, #tpu.memory_space<vmem>>, vector<1x1x16xf32>,
          %get3A_304 = vector.shape_cast %get3A_303 : vector<1x1x16xf32> to vector<16xf32>
          %mul3A_305 = arith.mulf %get3A_304, %gather3A_267 : vector<16xf32>
          %swap3A_306 = arith.constant 0 : i32
          %swap3A_307 = arith.index_cast %swap3A_306 : i32 to index
          %swap3A_308 = arith.index_cast %add3A_270 : i32 to index
          %swap3A_309 = arith.constant 32 : index
          %swap3A_310 = tpu.vector_load %arg6[%swap3A_307, %swap3A_308, %swap3A_309] {strides = array<i32>} : memref<2x640x64xf32, #tpu.memory_space<vmem>>, vector<1x1x16xf32>,
          %swap3A_311 = vector.shape_cast %swap3A_310 : vector<1x1x16xf32> to vector<16xf32>
          %swap3A_312 = vector.shape_cast %mul3A_305 : vector<16xf32> to vector<1x1x16xf32>
          tpu.vector_store %arg6[%swap3A_307, %swap3A_308, %swap3A_309], %swap3A_312 {strides = array<i32>} : memref<2x640x64xf32, #tpu.memory_space<vmem>>, vector<1x1x16xf32>,
          %get3A_313 = arith.constant 0 : i32
          %get3A_314 = arith.index_cast %get3A_313 : i32 to index
          %get3A_315 = arith.index_cast %add3A_270 : i32 to index
          %get3A_316 = arith.constant 48 : index
          %get3A_317 = tpu.vector_load %arg6[%get3A_314, %get3A_315, %get3A_316] {strides = array<i32>} : memref<2x640x64xf32, #tpu.memory_space<vmem>>, vector<1x1x16xf32>,
          %get3A_318 = vector.shape_cast %get3A_317 : vector<1x1x16xf32> to vector<16xf32>
          %mul3A_319 = arith.mulf %get3A_318, %gather3A_267 : vector<16xf32>
          %swap3A_320 = arith.constant 0 : i32
          %swap3A_321 = arith.index_cast %swap3A_320 : i32 to index
          %swap3A_322 = arith.index_cast %add3A_270 : i32 to index
          %swap3A_323 = arith.constant 48 : index
          %swap3A_324 = tpu.vector_load %arg6[%swap3A_321, %swap3A_322, %swap3A_323] {strides = array<i32>} : memref<2x640x64xf32, #tpu.memory_space<vmem>>, vector<1x1x16xf32>,
          %swap3A_325 = vector.shape_cast %swap3A_324 : vector<1x1x16xf32> to vector<16xf32>
          %swap3A_326 = vector.shape_cast %mul3A_319 : vector<16xf32> to vector<1x1x16xf32>
          tpu.vector_store %arg6[%swap3A_321, %swap3A_322, %swap3A_323], %swap3A_326 {strides = array<i32>} : memref<2x640x64xf32, #tpu.memory_space<vmem>>, vector<1x1x16xf32>,
          %scan3A_327 = arith.constant 2 : i32
          %scan3A_328 = arith.addi %scan3A_202, %scan3A_327 : i32
          %broadcast_in_dim3A_329 = vector.broadcast %scan3A_328 : i32 to vector<16x1xi32>
          %gather3A_330 = vector.shape_cast %broadcast_in_dim3A_329 : vector<16x1xi32> to vector<16xi32>
          %gather3A_331 = tpu.dynamic_gather %select_n3A_195[%gather3A_330] in [0] : vector<16xf32>, vector<16xi32> -> vector<16xf32>
          %mul3A_332 = arith.constant 16 : i32
          %mul3A_333 = arith.muli %scan3A_181, %mul3A_332 : i32
          %add3A_334 = arith.addi %mul3A_333, %scan3A_328 : i32
          %get3A_335 = arith.constant 0 : i32
          %get3A_336 = arith.index_cast %get3A_335 : i32 to index
          %get3A_337 = arith.index_cast %add3A_334 : i32 to index
          %get3A_338 = arith.constant 0 : index
          %get3A_339 = tpu.vector_load %arg6[%get3A_336, %get3A_337, %get3A_338] {strides = array<i32>} : memref<2x640x64xf32, #tpu.memory_space<vmem>>, vector<1x1x16xf32>,
          %get3A_340 = vector.shape_cast %get3A_339 : vector<1x1x16xf32> to vector<16xf32>
          %mul3A_341 = arith.mulf %get3A_340, %gather3A_331 : vector<16xf32>
          %swap3A_342 = arith.constant 0 : i32
          %swap3A_343 = arith.index_cast %swap3A_342 : i32 to index
          %swap3A_344 = arith.index_cast %add3A_334 : i32 to index
          %swap3A_345 = arith.constant 0 : index
          %swap3A_346 = tpu.vector_load %arg6[%swap3A_343, %swap3A_344, %swap3A_345] {strides = array<i32>} : memref<2x640x64xf32, #tpu.memory_space<vmem>>, vector<1x1x16xf32>,
          %swap3A_347 = vector.shape_cast %swap3A_346 : vector<1x1x16xf32> to vector<16xf32>
          %swap3A_348 = vector.shape_cast %mul3A_341 : vector<16xf32> to vector<1x1x16xf32>
          tpu.vector_store %arg6[%swap3A_343, %swap3A_344, %swap3A_345], %swap3A_348 {strides = array<i32>} : memref<2x640x64xf32, #tpu.memory_space<vmem>>, vector<1x1x16xf32>,
          %get3A_349 = arith.constant 0 : i32
          %get3A_350 = arith.index_cast %get3A_349 : i32 to index
          %get3A_351 = arith.index_cast %add3A_334 : i32 to index
          %get3A_352 = arith.constant 16 : index
          %get3A_353 = tpu.vector_load %arg6[%get3A_350, %get3A_351, %get3A_352] {strides = array<i32>} : memref<2x640x64xf32, #tpu.memory_space<vmem>>, vector<1x1x16xf32>,
          %get3A_354 = vector.shape_cast %get3A_353 : vector<1x1x16xf32> to vector<16xf32>
          %mul3A_355 = arith.mulf %get3A_354, %gather3A_331 : vector<16xf32>
          %swap3A_356 = arith.constant 0 : i32
          %swap3A_357 = arith.index_cast %swap3A_356 : i32 to index
          %swap3A_358 = arith.index_cast %add3A_334 : i32 to index
          %swap3A_359 = arith.constant 16 : index
          %swap3A_360 = tpu.vector_load %arg6[%swap3A_357, %swap3A_358, %swap3A_359] {strides = array<i32>} : memref<2x640x64xf32, #tpu.memory_space<vmem>>, vector<1x1x16xf32>,
          %swap3A_361 = vector.shape_cast %swap3A_360 : vector<1x1x16xf32> to vector<16xf32>
          %swap3A_362 = vector.shape_cast %mul3A_355 : vector<16xf32> to vector<1x1x16xf32>
          tpu.vector_store %arg6[%swap3A_357, %swap3A_358, %swap3A_359], %swap3A_362 {strides = array<i32>} : memref<2x640x64xf32, #tpu.memory_space<vmem>>, vector<1x1x16xf32>,
          %get3A_363 = arith.constant 0 : i32
          %get3A_364 = arith.index_cast %get3A_363 : i32 to index
          %get3A_365 = arith.index_cast %add3A_334 : i32 to index
          %get3A_366 = arith.constant 32 : index
          %get3A_367 = tpu.vector_load %arg6[%get3A_364, %get3A_365, %get3A_366] {strides = array<i32>} : memref<2x640x64xf32, #tpu.memory_space<vmem>>, vector<1x1x16xf32>,
          %get3A_368 = vector.shape_cast %get3A_367 : vector<1x1x16xf32> to vector<16xf32>
          %mul3A_369 = arith.mulf %get3A_368, %gather3A_331 : vector<16xf32>
          %swap3A_370 = arith.constant 0 : i32
          %swap3A_371 = arith.index_cast %swap3A_370 : i32 to index
          %swap3A_372 = arith.index_cast %add3A_334 : i32 to index
          %swap3A_373 = arith.constant 32 : index
          %swap3A_374 = tpu.vector_load %arg6[%swap3A_371, %swap3A_372, %swap3A_373] {strides = array<i32>} : memref<2x640x64xf32, #tpu.memory_space<vmem>>, vector<1x1x16xf32>,
          %swap3A_375 = vector.shape_cast %swap3A_374 : vector<1x1x16xf32> to vector<16xf32>
          %swap3A_376 = vector.shape_cast %mul3A_369 : vector<16xf32> to vector<1x1x16xf32>
          tpu.vector_store %arg6[%swap3A_371, %swap3A_372, %swap3A_373], %swap3A_376 {strides = array<i32>} : memref<2x640x64xf32, #tpu.memory_space<vmem>>, vector<1x1x16xf32>,
          %get3A_377 = arith.constant 0 : i32
          %get3A_378 = arith.index_cast %get3A_377 : i32 to index
          %get3A_379 = arith.index_cast %add3A_334 : i32 to index
          %get3A_380 = arith.constant 48 : index
          %get3A_381 = tpu.vector_load %arg6[%get3A_378, %get3A_379, %get3A_380] {strides = array<i32>} : memref<2x640x64xf32, #tpu.memory_space<vmem>>, vector<1x1x16xf32>,
          %get3A_382 = vector.shape_cast %get3A_381 : vector<1x1x16xf32> to vector<16xf32>
          %mul3A_383 = arith.mulf %get3A_382, %gather3A_331 : vector<16xf32>
          %swap3A_384 = arith.constant 0 : i32
          %swap3A_385 = arith.index_cast %swap3A_384 : i32 to index
          %swap3A_386 = arith.index_cast %add3A_334 : i32 to index
          %swap3A_387 = arith.constant 48 : index
          %swap3A_388 = tpu.vector_load %arg6[%swap3A_385, %swap3A_386, %swap3A_387] {strides = array<i32>} : memref<2x640x64xf32, #tpu.memory_space<vmem>>, vector<1x1x16xf32>,
          %swap3A_389 = vector.shape_cast %swap3A_388 : vector<1x1x16xf32> to vector<16xf32>
          %swap3A_390 = vector.shape_cast %mul3A_383 : vector<16xf32> to vector<1x1x16xf32>
          tpu.vector_store %arg6[%swap3A_385, %swap3A_386, %swap3A_387], %swap3A_390 {strides = array<i32>} : memref<2x640x64xf32, #tpu.memory_space<vmem>>, vector<1x1x16xf32>,
          %scan3A_391 = arith.constant 3 : i32
          %scan3A_392 = arith.addi %scan3A_202, %scan3A_391 : i32
          %broadcast_in_dim3A_393 = vector.broadcast %scan3A_392 : i32 to vector<16x1xi32>
          %gather3A_394 = vector.shape_cast %broadcast_in_dim3A_393 : vector<16x1xi32> to vector<16xi32>
          %gather3A_395 = tpu.dynamic_gather %select_n3A_195[%gather3A_394] in [0] : vector<16xf32>, vector<16xi32> -> vector<16xf32>
          %mul3A_396 = arith.constant 16 : i32
          %mul3A_397 = arith.muli %scan3A_181, %mul3A_396 : i32
          %add3A_398 = arith.addi %mul3A_397, %scan3A_392 : i32
          %get3A_399 = arith.constant 0 : i32
          %get3A_400 = arith.index_cast %get3A_399 : i32 to index
          %get3A_401 = arith.index_cast %add3A_398 : i32 to index
          %get3A_402 = arith.constant 0 : index
          %get3A_403 = tpu.vector_load %arg6[%get3A_400, %get3A_401, %get3A_402] {strides = array<i32>} : memref<2x640x64xf32, #tpu.memory_space<vmem>>, vector<1x1x16xf32>,
          %get3A_404 = vector.shape_cast %get3A_403 : vector<1x1x16xf32> to vector<16xf32>
          %mul3A_405 = arith.mulf %get3A_404, %gather3A_395 : vector<16xf32>
          %swap3A_406 = arith.constant 0 : i32
          %swap3A_407 = arith.index_cast %swap3A_406 : i32 to index
          %swap3A_408 = arith.index_cast %add3A_398 : i32 to index
          %swap3A_409 = arith.constant 0 : index
          %swap3A_410 = tpu.vector_load %arg6[%swap3A_407, %swap3A_408, %swap3A_409] {strides = array<i32>} : memref<2x640x64xf32, #tpu.memory_space<vmem>>, vector<1x1x16xf32>,
          %swap3A_411 = vector.shape_cast %swap3A_410 : vector<1x1x16xf32> to vector<16xf32>
          %swap3A_412 = vector.shape_cast %mul3A_405 : vector<16xf32> to vector<1x1x16xf32>
          tpu.vector_store %arg6[%swap3A_407, %swap3A_408, %swap3A_409], %swap3A_412 {strides = array<i32>} : memref<2x640x64xf32, #tpu.memory_space<vmem>>, vector<1x1x16xf32>,
          %get3A_413 = arith.constant 0 : i32
          %get3A_414 = arith.index_cast %get3A_413 : i32 to index
          %get3A_415 = arith.index_cast %add3A_398 : i32 to index
          %get3A_416 = arith.constant 16 : index
          %get3A_417 = tpu.vector_load %arg6[%get3A_414, %get3A_415, %get3A_416] {strides = array<i32>} : memref<2x640x64xf32, #tpu.memory_space<vmem>>, vector<1x1x16xf32>,
          %get3A_418 = vector.shape_cast %get3A_417 : vector<1x1x16xf32> to vector<16xf32>
          %mul3A_419 = arith.mulf %get3A_418, %gather3A_395 : vector<16xf32>
          %swap3A_420 = arith.constant 0 : i32
          %swap3A_421 = arith.index_cast %swap3A_420 : i32 to index
          %swap3A_422 = arith.index_cast %add3A_398 : i32 to index
          %swap3A_423 = arith.constant 16 : index
          %swap3A_424 = tpu.vector_load %arg6[%swap3A_421, %swap3A_422, %swap3A_423] {strides = array<i32>} : memref<2x640x64xf32, #tpu.memory_space<vmem>>, vector<1x1x16xf32>,
          %swap3A_425 = vector.shape_cast %swap3A_424 : vector<1x1x16xf32> to vector<16xf32>
          %swap3A_426 = vector.shape_cast %mul3A_419 : vector<16xf32> to vector<1x1x16xf32>
          tpu.vector_store %arg6[%swap3A_421, %swap3A_422, %swap3A_423], %swap3A_426 {strides = array<i32>} : memref<2x640x64xf32, #tpu.memory_space<vmem>>, vector<1x1x16xf32>,
          %get3A_427 = arith.constant 0 : i32
          %get3A_428 = arith.index_cast %get3A_427 : i32 to index
          %get3A_429 = arith.index_cast %add3A_398 : i32 to index
          %get3A_430 = arith.constant 32 : index
          %get3A_431 = tpu.vector_load %arg6[%get3A_428, %get3A_429, %get3A_430] {strides = array<i32>} : memref<2x640x64xf32, #tpu.memory_space<vmem>>, vector<1x1x16xf32>,
          %get3A_432 = vector.shape_cast %get3A_431 : vector<1x1x16xf32> to vector<16xf32>
          %mul3A_433 = arith.mulf %get3A_432, %gather3A_395 : vector<16xf32>
          %swap3A_434 = arith.constant 0 : i32
          %swap3A_435 = arith.index_cast %swap3A_434 : i32 to index
          %swap3A_436 = arith.index_cast %add3A_398 : i32 to index
          %swap3A_437 = arith.constant 32 : index
          %swap3A_438 = tpu.vector_load %arg6[%swap3A_435, %swap3A_436, %swap3A_437] {strides = array<i32>} : memref<2x640x64xf32, #tpu.memory_space<vmem>>, vector<1x1x16xf32>,
          %swap3A_439 = vector.shape_cast %swap3A_438 : vector<1x1x16xf32> to vector<16xf32>
          %swap3A_440 = vector.shape_cast %mul3A_433 : vector<16xf32> to vector<1x1x16xf32>
          tpu.vector_store %arg6[%swap3A_435, %swap3A_436, %swap3A_437], %swap3A_440 {strides = array<i32>} : memref<2x640x64xf32, #tpu.memory_space<vmem>>, vector<1x1x16xf32>,
          %get3A_441 = arith.constant 0 : i32
          %get3A_442 = arith.index_cast %get3A_441 : i32 to index
          %get3A_443 = arith.index_cast %add3A_398 : i32 to index
          %get3A_444 = arith.constant 48 : index
          %get3A_445 = tpu.vector_load %arg6[%get3A_442, %get3A_443, %get3A_444] {strides = array<i32>} : memref<2x640x64xf32, #tpu.memory_space<vmem>>, vector<1x1x16xf32>,
          %get3A_446 = vector.shape_cast %get3A_445 : vector<1x1x16xf32> to vector<16xf32>
          %mul3A_447 = arith.mulf %get3A_446, %gather3A_395 : vector<16xf32>
          %swap3A_448 = arith.constant 0 : i32
          %swap3A_449 = arith.index_cast %swap3A_448 : i32 to index
          %swap3A_450 = arith.index_cast %add3A_398 : i32 to index
          %swap3A_451 = arith.constant 48 : index
          %swap3A_452 = tpu.vector_load %arg6[%swap3A_449, %swap3A_450, %swap3A_451] {strides = array<i32>} : memref<2x640x64xf32, #tpu.memory_space<vmem>>, vector<1x1x16xf32>,
          %swap3A_453 = vector.shape_cast %swap3A_452 : vector<1x1x16xf32> to vector<16xf32>
          %swap3A_454 = vector.shape_cast %mul3A_447 : vector<16xf32> to vector<1x1x16xf32>
          tpu.vector_store %arg6[%swap3A_449, %swap3A_450, %swap3A_451], %swap3A_454 {strides = array<i32>} : memref<2x640x64xf32, #tpu.memory_space<vmem>>, vector<1x1x16xf32>,
        }
        %scan3A_201 = arith.constant 16 : i32
      }
      %scan3A_93 = arith.constant 40 : i32
      %mul3A_94 = arith.constant 640 : i32
      %mul3A_95 = arith.muli %add3A_72, %mul3A_94 : i32
      %add3A_96 = arith.addi %mul3A_2, %mul3A_95 : i32
      %dma_start3A_97 = arith.constant 0 : i32
      %dma_start3A_98 = arith.constant 0 : i32
      %dma_start3A_99 = arith.constant 0 : i32
      %dma_start3A_100 = arith.constant 0 : i32
      %dma_start3A_101 = tpu.memref_slice %arg6[%dma_start3A_97, %dma_start3A_99, %dma_start3A_100] : memref<2x640x64xf32, #tpu.memory_space<vmem>> -> memref<1x640x64xf32, #tpu.memory_space<vmem>>
      %dma_start3A_102 = tpu.memref_squeeze %dma_start3A_101 : memref<1x640x64xf32, #tpu.memory_space<vmem>> -> memref<640x64xf32, #tpu.memory_space<vmem>>
      %dma_start3A_103 = arith.constant 0 : i32
      %dma_start3A_104 = tpu.memref_slice %arg4[%add3A_96, %dma_start3A_103] : memref<819200x64xf32, #tpu.memory_space<hbm>> -> memref<640x64xf32, #tpu.memory_space<hbm>>
      %dma_start3A_105 = tpu.memref_slice %arg8[%dma_start3A_98] : memref<2x!tpu.dma_semaphore, #tpu.memory_space<semaphore_mem>> -> memref<1x!tpu.dma_semaphore, #tpu.memory_space<semaphore_mem>>
      %dma_start3A_106 = tpu.memref_squeeze %dma_start3A_105 : memref<1x!tpu.dma_semaphore, #tpu.memory_space<semaphore_mem>> -> memref<!tpu.dma_semaphore, #tpu.memory_space<semaphore_mem>>
      %dma_start3A_107 = arith.constant 0 : i32
      %dma_start3A_108 = tpu.memref_slice %arg4[%add3A_96, %dma_start3A_107] : memref<819200x64xf32, #tpu.memory_space<hbm>> -> memref<640x64xf32, #tpu.memory_space<hbm>>
      %dma_start3A_109 = arith.constant 0 : i32
      %dma_start3A_110 = arith.constant 0 : i32
      %dma_start3A_111 = tpu.memref_slice %arg6[%dma_start3A_97, %dma_start3A_109, %dma_start3A_110] : memref<2x640x64xf32, #tpu.memory_space<vmem>> -> memref<1x640x64xf32, #tpu.memory_space<vmem>>
      %dma_start3A_112 = tpu.memref_squeeze %dma_start3A_111 : memref<1x640x64xf32, #tpu.memory_space<vmem>> -> memref<640x64xf32, #tpu.memory_space<vmem>>
      tpu.enqueue_dma source(%dma_start3A_112 : memref<640x64xf32, #tpu.memory_space<vmem>>) target(%dma_start3A_108 : memref<640x64xf32, #tpu.memory_space<hbm>>) target_semaphore(%dma_start3A_106 : memref<!tpu.dma_semaphore, #tpu.memory_space<semaphore_mem>>)
      %mul3A_113 = arith.constant 2 : i32
      %mul3A_114 = arith.muli %scan3A_68, %mul3A_113 : i32
      %add3A_115 = arith.constant 1 : i32
      %add3A_116 = arith.addi %mul3A_114, %add3A_115 : i32
      %dma_wait3A_117 = arith.constant 0 : i32
      %dma_wait3A_118 = arith.constant 1 : i32
      %dma_wait3A_119 = arith.constant 1 : i32
      %dma_wait3A_120 = arith.constant 0 : i32
      %dma_wait3A_121 = arith.constant 0 : i32
      %dma_wait3A_122 = tpu.memref_slice %arg6[%dma_wait3A_118, %dma_wait3A_120, %dma_wait3A_121] : memref<2x640x64xf32, #tpu.memory_space<vmem>> -> memref<1x640x64xf32, #tpu.memory_space<vmem>>
      %dma_wait3A_123 = tpu.memref_squeeze %dma_wait3A_122 : memref<1x640x64xf32, #tpu.memory_space<vmem>> -> memref<640x64xf32, #tpu.memory_space<vmem>>
      %dma_wait3A_124 = arith.constant 0 : i32
      %dma_wait3A_125 = tpu.memref_slice %arg5[%dma_wait3A_117, %dma_wait3A_124] : memref<40x640xi32, #tpu.memory_space<vmem>> -> memref<1x640xi32, #tpu.memory_space<vmem>>
      %dma_wait3A_126 = tpu.memref_squeeze %dma_wait3A_125 : memref<1x640xi32, #tpu.memory_space<vmem>> -> memref<640xi32, #tpu.memory_space<vmem>>
      %dma_wait3A_127 = arith.constant 0 : i32
      %dma_wait3A_128 = arith.constant 0 : i32
      %dma_wait3A_129 = tpu.memref_slice %arg3[%dma_wait3A_127, %dma_wait3A_128] : memref<1000000x64xf32, #tpu.memory_space<hbm>> -> memref<1000000x64xf32, #tpu.memory_space<hbm>>
      %dma_wait3A_130 = tpu.memref_slice %arg7[%dma_wait3A_119] : memref<2x!tpu.dma_semaphore, #tpu.memory_space<semaphore_mem>> -> memref<1x!tpu.dma_semaphore, #tpu.memory_space<semaphore_mem>>
      %dma_wait3A_131 = tpu.memref_squeeze %dma_wait3A_130 : memref<1x!tpu.dma_semaphore, #tpu.memory_space<semaphore_mem>> -> memref<!tpu.dma_semaphore, #tpu.memory_space<semaphore_mem>>
      tpu.wait_indirect_dma semaphore(%dma_wait3A_131 : memref<!tpu.dma_semaphore, #tpu.memory_space<semaphore_mem>>) src(%dma_wait3A_129 : memref<1000000x64xf32, #tpu.memory_space<hbm>>) dst(%dma_wait3A_123 : memref<640x64xf32, #tpu.memory_space<vmem>>)
      %scan3A_132 = arith.constant 0 : i32
      %scan3A_133 = arith.constant 0 : i32
      %scan3A_134 = arith.constant 40 : i32
      %scan3A_135 = arith.addi %scan3A_133, %scan3A_134 : i32
      %scan3A_136 = arith.constant 2 : i32
      scf.for %scan3A_164 = %scan3A_133 to %scan3A_135 step %scan3A_136  : i32 {
        %mul3A_165 = arith.constant 16 : i32
        %mul3A_166 = arith.muli %scan3A_164, %mul3A_165 : i32
        %get3A = arith.index_cast %add3A_116 : i32 to index
        %get3A_167 = arith.index_cast %mul3A_166 : i32 to index
        %get3A_168 = tpu.vector_load %arg5[%get3A, %get3A_167] {strides = array<i32>} : memref<40x640xi32, #tpu.memory_space<vmem>>, vector<1x16xi32>,
        %get3A_169 = vector.shape_cast %get3A_168 : vector<1x16xi32> to vector<16xi32>
        %ne3A = arith.constant 0 : i32
        %ne3A_170 = vector.broadcast %ne3A : i32 to vector<16xi32>
        %ne3A_171 = arith.cmpi ne, %get3A_169, %ne3A_170 : vector<16xi32>
        %jit3A = arith.constant 8.000000e+00 : f32
        %jit3A_172 = arith.constant 0.000000e+00 : f32
        %broadcast_in_dim3A = vector.broadcast %jit3A : f32 to vector<16xf32>
        %broadcast_in_dim3A_173 = vector.broadcast %jit3A_172 : f32 to vector<16xf32>
        %select_n3A = arith.select %ne3A_171, %broadcast_in_dim3A, %broadcast_in_dim3A_173 : vector<16xi1>, vector<16xf32>
        %scan3A_174 = arith.constant 0 : i32
        %scan3A_175 = arith.constant 0 : i32
        %scan3A_176 = arith.constant 16 : i32
        %scan3A_177 = arith.addi %scan3A_175, %scan3A_176 : i32
        %scan3A_178 = arith.constant 4 : i32
        scf.for %scan3A_202 = %scan3A_175 to %scan3A_177 step %scan3A_178  : i32 {
          %broadcast_in_dim3A_203 = vector.broadcast %scan3A_202 : i32 to vector<16x1xi32>
          %gather3A = vector.shape_cast %broadcast_in_dim3A_203 : vector<16x1xi32> to vector<16xi32>
          %gather3A_204 = tpu.dynamic_gather %select_n3A[%gather3A] in [0] : vector<16xf32>, vector<16xi32> -> vector<16xf32>
          %mul3A_205 = arith.constant 16 : i32
          %mul3A_206 = arith.muli %scan3A_164, %mul3A_205 : i32
          %add3A_207 = arith.addi %mul3A_206, %scan3A_202 : i32
          %get3A_208 = arith.constant 1 : i32
          %get3A_209 = arith.index_cast %get3A_208 : i32 to index
          %get3A_210 = arith.index_cast %add3A_207 : i32 to index
          %get3A_211 = arith.constant 0 : index
          %get3A_212 = tpu.vector_load %arg6[%get3A_209, %get3A_210, %get3A_211] {strides = array<i32>} : memref<2x640x64xf32, #tpu.memory_space<vmem>>, vector<1x1x16xf32>,
          %get3A_213 = vector.shape_cast %get3A_212 : vector<1x1x16xf32> to vector<16xf32>
          %mul3A_214 = arith.mulf %get3A_213, %gather3A_204 : vector<16xf32>
          %swap3A = arith.constant 1 : i32
          %swap3A_215 = arith.index_cast %swap3A : i32 to index
          %swap3A_216 = arith.index_cast %add3A_207 : i32 to index
          %swap3A_217 = arith.constant 0 : index
          %swap3A_218 = tpu.vector_load %arg6[%swap3A_215, %swap3A_216, %swap3A_217] {strides = array<i32>} : memref<2x640x64xf32, #tpu.memory_space<vmem>>, vector<1x1x16xf32>,
          %swap3A_219 = vector.shape_cast %swap3A_218 : vector<1x1x16xf32> to vector<16xf32>
          %swap3A_220 = vector.shape_cast %mul3A_214 : vector<16xf32> to vector<1x1x16xf32>
          tpu.vector_store %arg6[%swap3A_215, %swap3A_216, %swap3A_217], %swap3A_220 {strides = array<i32>} : memref<2x640x64xf32, #tpu.memory_space<vmem>>, vector<1x1x16xf32>,
          %get3A_221 = arith.constant 1 : i32
          %get3A_222 = arith.index_cast %get3A_221 : i32 to index
          %get3A_223 = arith.index_cast %add3A_207 : i32 to index
          %get3A_224 = arith.constant 16 : index
          %get3A_225 = tpu.vector_load %arg6[%get3A_222, %get3A_223, %get3A_224] {strides = array<i32>} : memref<2x640x64xf32, #tpu.memory_space<vmem>>, vector<1x1x16xf32>,
          %get3A_226 = vector.shape_cast %get3A_225 : vector<1x1x16xf32> to vector<16xf32>
          %mul3A_227 = arith.mulf %get3A_226, %gather3A_204 : vector<16xf32>
          %swap3A_228 = arith.constant 1 : i32
          %swap3A_229 = arith.index_cast %swap3A_228 : i32 to index
          %swap3A_230 = arith.index_cast %add3A_207 : i32 to index
          %swap3A_231 = arith.constant 16 : index
          %swap3A_232 = tpu.vector_load %arg6[%swap3A_229, %swap3A_230, %swap3A_231] {strides = array<i32>} : memref<2x640x64xf32, #tpu.memory_space<vmem>>, vector<1x1x16xf32>,
          %swap3A_233 = vector.shape_cast %swap3A_232 : vector<1x1x16xf32> to vector<16xf32>
          %swap3A_234 = vector.shape_cast %mul3A_227 : vector<16xf32> to vector<1x1x16xf32>
          tpu.vector_store %arg6[%swap3A_229, %swap3A_230, %swap3A_231], %swap3A_234 {strides = array<i32>} : memref<2x640x64xf32, #tpu.memory_space<vmem>>, vector<1x1x16xf32>,
          %get3A_235 = arith.constant 1 : i32
          %get3A_236 = arith.index_cast %get3A_235 : i32 to index
          %get3A_237 = arith.index_cast %add3A_207 : i32 to index
          %get3A_238 = arith.constant 32 : index
          %get3A_239 = tpu.vector_load %arg6[%get3A_236, %get3A_237, %get3A_238] {strides = array<i32>} : memref<2x640x64xf32, #tpu.memory_space<vmem>>, vector<1x1x16xf32>,
          %get3A_240 = vector.shape_cast %get3A_239 : vector<1x1x16xf32> to vector<16xf32>
          %mul3A_241 = arith.mulf %get3A_240, %gather3A_204 : vector<16xf32>
          %swap3A_242 = arith.constant 1 : i32
          %swap3A_243 = arith.index_cast %swap3A_242 : i32 to index
          %swap3A_244 = arith.index_cast %add3A_207 : i32 to index
          %swap3A_245 = arith.constant 32 : index
          %swap3A_246 = tpu.vector_load %arg6[%swap3A_243, %swap3A_244, %swap3A_245] {strides = array<i32>} : memref<2x640x64xf32, #tpu.memory_space<vmem>>, vector<1x1x16xf32>,
          %swap3A_247 = vector.shape_cast %swap3A_246 : vector<1x1x16xf32> to vector<16xf32>
          %swap3A_248 = vector.shape_cast %mul3A_241 : vector<16xf32> to vector<1x1x16xf32>
          tpu.vector_store %arg6[%swap3A_243, %swap3A_244, %swap3A_245], %swap3A_248 {strides = array<i32>} : memref<2x640x64xf32, #tpu.memory_space<vmem>>, vector<1x1x16xf32>,
          %get3A_249 = arith.constant 1 : i32
          %get3A_250 = arith.index_cast %get3A_249 : i32 to index
          %get3A_251 = arith.index_cast %add3A_207 : i32 to index
          %get3A_252 = arith.constant 48 : index
          %get3A_253 = tpu.vector_load %arg6[%get3A_250, %get3A_251, %get3A_252] {strides = array<i32>} : memref<2x640x64xf32, #tpu.memory_space<vmem>>, vector<1x1x16xf32>,
          %get3A_254 = vector.shape_cast %get3A_253 : vector<1x1x16xf32> to vector<16xf32>
          %mul3A_255 = arith.mulf %get3A_254, %gather3A_204 : vector<16xf32>
          %swap3A_256 = arith.constant 1 : i32
          %swap3A_257 = arith.index_cast %swap3A_256 : i32 to index
          %swap3A_258 = arith.index_cast %add3A_207 : i32 to index
          %swap3A_259 = arith.constant 48 : index
          %swap3A_260 = tpu.vector_load %arg6[%swap3A_257, %swap3A_258, %swap3A_259] {strides = array<i32>} : memref<2x640x64xf32, #tpu.memory_space<vmem>>, vector<1x1x16xf32>,
          %swap3A_261 = vector.shape_cast %swap3A_260 : vector<1x1x16xf32> to vector<16xf32>
          %swap3A_262 = vector.shape_cast %mul3A_255 : vector<16xf32> to vector<1x1x16xf32>
          tpu.vector_store %arg6[%swap3A_257, %swap3A_258, %swap3A_259], %swap3A_262 {strides = array<i32>} : memref<2x640x64xf32, #tpu.memory_space<vmem>>, vector<1x1x16xf32>,
          %scan3A_263 = arith.constant 1 : i32
          %scan3A_264 = arith.addi %scan3A_202, %scan3A_263 : i32
          %broadcast_in_dim3A_265 = vector.broadcast %scan3A_264 : i32 to vector<16x1xi32>
          %gather3A_266 = vector.shape_cast %broadcast_in_dim3A_265 : vector<16x1xi32> to vector<16xi32>
          %gather3A_267 = tpu.dynamic_gather %select_n3A[%gather3A_266] in [0] : vector<16xf32>, vector<16xi32> -> vector<16xf32>
          %mul3A_268 = arith.constant 16 : i32
          %mul3A_269 = arith.muli %scan3A_164, %mul3A_268 : i32
          %add3A_270 = arith.addi %mul3A_269, %scan3A_264 : i32
          %get3A_271 = arith.constant 1 : i32
          %get3A_272 = arith.index_cast %get3A_271 : i32 to index
          %get3A_273 = arith.index_cast %add3A_270 : i32 to index
          %get3A_274 = arith.constant 0 : index
          %get3A_275 = tpu.vector_load %arg6[%get3A_272, %get3A_273, %get3A_274] {strides = array<i32>} : memref<2x640x64xf32, #tpu.memory_space<vmem>>, vector<1x1x16xf32>,
          %get3A_276 = vector.shape_cast %get3A_275 : vector<1x1x16xf32> to vector<16xf32>
          %mul3A_277 = arith.mulf %get3A_276, %gather3A_267 : vector<16xf32>
          %swap3A_278 = arith.constant 1 : i32
          %swap3A_279 = arith.index_cast %swap3A_278 : i32 to index
          %swap3A_280 = arith.index_cast %add3A_270 : i32 to index
          %swap3A_281 = arith.constant 0 : index
          %swap3A_282 = tpu.vector_load %arg6[%swap3A_279, %swap3A_280, %swap3A_281] {strides = array<i32>} : memref<2x640x64xf32, #tpu.memory_space<vmem>>, vector<1x1x16xf32>,
          %swap3A_283 = vector.shape_cast %swap3A_282 : vector<1x1x16xf32> to vector<16xf32>
          %swap3A_284 = vector.shape_cast %mul3A_277 : vector<16xf32> to vector<1x1x16xf32>
          tpu.vector_store %arg6[%swap3A_279, %swap3A_280, %swap3A_281], %swap3A_284 {strides = array<i32>} : memref<2x640x64xf32, #tpu.memory_space<vmem>>, vector<1x1x16xf32>,
          %get3A_285 = arith.constant 1 : i32
          %get3A_286 = arith.index_cast %get3A_285 : i32 to index
          %get3A_287 = arith.index_cast %add3A_270 : i32 to index
          %get3A_288 = arith.constant 16 : index
          %get3A_289 = tpu.vector_load %arg6[%get3A_286, %get3A_287, %get3A_288] {strides = array<i32>} : memref<2x640x64xf32, #tpu.memory_space<vmem>>, vector<1x1x16xf32>,
          %get3A_290 = vector.shape_cast %get3A_289 : vector<1x1x16xf32> to vector<16xf32>
          %mul3A_291 = arith.mulf %get3A_290, %gather3A_267 : vector<16xf32>
          %swap3A_292 = arith.constant 1 : i32
          %swap3A_293 = arith.index_cast %swap3A_292 : i32 to index
          %swap3A_294 = arith.index_cast %add3A_270 : i32 to index
          %swap3A_295 = arith.constant 16 : index
          %swap3A_296 = tpu.vector_load %arg6[%swap3A_293, %swap3A_294, %swap3A_295] {strides = array<i32>} : memref<2x640x64xf32, #tpu.memory_space<vmem>>, vector<1x1x16xf32>,
          %swap3A_297 = vector.shape_cast %swap3A_296 : vector<1x1x16xf32> to vector<16xf32>
          %swap3A_298 = vector.shape_cast %mul3A_291 : vector<16xf32> to vector<1x1x16xf32>
          tpu.vector_store %arg6[%swap3A_293, %swap3A_294, %swap3A_295], %swap3A_298 {strides = array<i32>} : memref<2x640x64xf32, #tpu.memory_space<vmem>>, vector<1x1x16xf32>,
          %get3A_299 = arith.constant 1 : i32
          %get3A_300 = arith.index_cast %get3A_299 : i32 to index
          %get3A_301 = arith.index_cast %add3A_270 : i32 to index
          %get3A_302 = arith.constant 32 : index
          %get3A_303 = tpu.vector_load %arg6[%get3A_300, %get3A_301, %get3A_302] {strides = array<i32>} : memref<2x640x64xf32, #tpu.memory_space<vmem>>, vector<1x1x16xf32>,
          %get3A_304 = vector.shape_cast %get3A_303 : vector<1x1x16xf32> to vector<16xf32>
          %mul3A_305 = arith.mulf %get3A_304, %gather3A_267 : vector<16xf32>
          %swap3A_306 = arith.constant 1 : i32
          %swap3A_307 = arith.index_cast %swap3A_306 : i32 to index
          %swap3A_308 = arith.index_cast %add3A_270 : i32 to index
          %swap3A_309 = arith.constant 32 : index
          %swap3A_310 = tpu.vector_load %arg6[%swap3A_307, %swap3A_308, %swap3A_309] {strides = array<i32>} : memref<2x640x64xf32, #tpu.memory_space<vmem>>, vector<1x1x16xf32>,
          %swap3A_311 = vector.shape_cast %swap3A_310 : vector<1x1x16xf32> to vector<16xf32>
          %swap3A_312 = vector.shape_cast %mul3A_305 : vector<16xf32> to vector<1x1x16xf32>
          tpu.vector_store %arg6[%swap3A_307, %swap3A_308, %swap3A_309], %swap3A_312 {strides = array<i32>} : memref<2x640x64xf32, #tpu.memory_space<vmem>>, vector<1x1x16xf32>,
          %get3A_313 = arith.constant 1 : i32
          %get3A_314 = arith.index_cast %get3A_313 : i32 to index
          %get3A_315 = arith.index_cast %add3A_270 : i32 to index
          %get3A_316 = arith.constant 48 : index
          %get3A_317 = tpu.vector_load %arg6[%get3A_314, %get3A_315, %get3A_316] {strides = array<i32>} : memref<2x640x64xf32, #tpu.memory_space<vmem>>, vector<1x1x16xf32>,
          %get3A_318 = vector.shape_cast %get3A_317 : vector<1x1x16xf32> to vector<16xf32>
          %mul3A_319 = arith.mulf %get3A_318, %gather3A_267 : vector<16xf32>
          %swap3A_320 = arith.constant 1 : i32
          %swap3A_321 = arith.index_cast %swap3A_320 : i32 to index
          %swap3A_322 = arith.index_cast %add3A_270 : i32 to index
          %swap3A_323 = arith.constant 48 : index
          %swap3A_324 = tpu.vector_load %arg6[%swap3A_321, %swap3A_322, %swap3A_323] {strides = array<i32>} : memref<2x640x64xf32, #tpu.memory_space<vmem>>, vector<1x1x16xf32>,
          %swap3A_325 = vector.shape_cast %swap3A_324 : vector<1x1x16xf32> to vector<16xf32>
          %swap3A_326 = vector.shape_cast %mul3A_319 : vector<16xf32> to vector<1x1x16xf32>
          tpu.vector_store %arg6[%swap3A_321, %swap3A_322, %swap3A_323], %swap3A_326 {strides = array<i32>} : memref<2x640x64xf32, #tpu.memory_space<vmem>>, vector<1x1x16xf32>,
          %scan3A_327 = arith.constant 2 : i32
          %scan3A_328 = arith.addi %scan3A_202, %scan3A_327 : i32
          %broadcast_in_dim3A_329 = vector.broadcast %scan3A_328 : i32 to vector<16x1xi32>
          %gather3A_330 = vector.shape_cast %broadcast_in_dim3A_329 : vector<16x1xi32> to vector<16xi32>
          %gather3A_331 = tpu.dynamic_gather %select_n3A[%gather3A_330] in [0] : vector<16xf32>, vector<16xi32> -> vector<16xf32>
          %mul3A_332 = arith.constant 16 : i32
          %mul3A_333 = arith.muli %scan3A_164, %mul3A_332 : i32
          %add3A_334 = arith.addi %mul3A_333, %scan3A_328 : i32
          %get3A_335 = arith.constant 1 : i32
          %get3A_336 = arith.index_cast %get3A_335 : i32 to index
          %get3A_337 = arith.index_cast %add3A_334 : i32 to index
          %get3A_338 = arith.constant 0 : index
          %get3A_339 = tpu.vector_load %arg6[%get3A_336, %get3A_337, %get3A_338] {strides = array<i32>} : memref<2x640x64xf32, #tpu.memory_space<vmem>>, vector<1x1x16xf32>,
          %get3A_340 = vector.shape_cast %get3A_339 : vector<1x1x16xf32> to vector<16xf32>
          %mul3A_341 = arith.mulf %get3A_340, %gather3A_331 : vector<16xf32>
          %swap3A_342 = arith.constant 1 : i32
          %swap3A_343 = arith.index_cast %swap3A_342 : i32 to index
          %swap3A_344 = arith.index_cast %add3A_334 : i32 to index
          %swap3A_345 = arith.constant 0 : index
          %swap3A_346 = tpu.vector_load %arg6[%swap3A_343, %swap3A_344, %swap3A_345] {strides = array<i32>} : memref<2x640x64xf32, #tpu.memory_space<vmem>>, vector<1x1x16xf32>,
          %swap3A_347 = vector.shape_cast %swap3A_346 : vector<1x1x16xf32> to vector<16xf32>
          %swap3A_348 = vector.shape_cast %mul3A_341 : vector<16xf32> to vector<1x1x16xf32>
          tpu.vector_store %arg6[%swap3A_343, %swap3A_344, %swap3A_345], %swap3A_348 {strides = array<i32>} : memref<2x640x64xf32, #tpu.memory_space<vmem>>, vector<1x1x16xf32>,
          %get3A_349 = arith.constant 1 : i32
          %get3A_350 = arith.index_cast %get3A_349 : i32 to index
          %get3A_351 = arith.index_cast %add3A_334 : i32 to index
          %get3A_352 = arith.constant 16 : index
          %get3A_353 = tpu.vector_load %arg6[%get3A_350, %get3A_351, %get3A_352] {strides = array<i32>} : memref<2x640x64xf32, #tpu.memory_space<vmem>>, vector<1x1x16xf32>,
          %get3A_354 = vector.shape_cast %get3A_353 : vector<1x1x16xf32> to vector<16xf32>
          %mul3A_355 = arith.mulf %get3A_354, %gather3A_331 : vector<16xf32>
          %swap3A_356 = arith.constant 1 : i32
          %swap3A_357 = arith.index_cast %swap3A_356 : i32 to index
          %swap3A_358 = arith.index_cast %add3A_334 : i32 to index
          %swap3A_359 = arith.constant 16 : index
          %swap3A_360 = tpu.vector_load %arg6[%swap3A_357, %swap3A_358, %swap3A_359] {strides = array<i32>} : memref<2x640x64xf32, #tpu.memory_space<vmem>>, vector<1x1x16xf32>,
          %swap3A_361 = vector.shape_cast %swap3A_360 : vector<1x1x16xf32> to vector<16xf32>
          %swap3A_362 = vector.shape_cast %mul3A_355 : vector<16xf32> to vector<1x1x16xf32>
          tpu.vector_store %arg6[%swap3A_357, %swap3A_358, %swap3A_359], %swap3A_362 {strides = array<i32>} : memref<2x640x64xf32, #tpu.memory_space<vmem>>, vector<1x1x16xf32>,
          %get3A_363 = arith.constant 1 : i32
          %get3A_364 = arith.index_cast %get3A_363 : i32 to index
          %get3A_365 = arith.index_cast %add3A_334 : i32 to index
          %get3A_366 = arith.constant 32 : index
          %get3A_367 = tpu.vector_load %arg6[%get3A_364, %get3A_365, %get3A_366] {strides = array<i32>} : memref<2x640x64xf32, #tpu.memory_space<vmem>>, vector<1x1x16xf32>,
          %get3A_368 = vector.shape_cast %get3A_367 : vector<1x1x16xf32> to vector<16xf32>
          %mul3A_369 = arith.mulf %get3A_368, %gather3A_331 : vector<16xf32>
          %swap3A_370 = arith.constant 1 : i32
          %swap3A_371 = arith.index_cast %swap3A_370 : i32 to index
          %swap3A_372 = arith.index_cast %add3A_334 : i32 to index
          %swap3A_373 = arith.constant 32 : index
          %swap3A_374 = tpu.vector_load %arg6[%swap3A_371, %swap3A_372, %swap3A_373] {strides = array<i32>} : memref<2x640x64xf32, #tpu.memory_space<vmem>>, vector<1x1x16xf32>,
          %swap3A_375 = vector.shape_cast %swap3A_374 : vector<1x1x16xf32> to vector<16xf32>
          %swap3A_376 = vector.shape_cast %mul3A_369 : vector<16xf32> to vector<1x1x16xf32>
          tpu.vector_store %arg6[%swap3A_371, %swap3A_372, %swap3A_373], %swap3A_376 {strides = array<i32>} : memref<2x640x64xf32, #tpu.memory_space<vmem>>, vector<1x1x16xf32>,
          %get3A_377 = arith.constant 1 : i32
          %get3A_378 = arith.index_cast %get3A_377 : i32 to index
          %get3A_379 = arith.index_cast %add3A_334 : i32 to index
          %get3A_380 = arith.constant 48 : index
          %get3A_381 = tpu.vector_load %arg6[%get3A_378, %get3A_379, %get3A_380] {strides = array<i32>} : memref<2x640x64xf32, #tpu.memory_space<vmem>>, vector<1x1x16xf32>,
          %get3A_382 = vector.shape_cast %get3A_381 : vector<1x1x16xf32> to vector<16xf32>
          %mul3A_383 = arith.mulf %get3A_382, %gather3A_331 : vector<16xf32>
          %swap3A_384 = arith.constant 1 : i32
          %swap3A_385 = arith.index_cast %swap3A_384 : i32 to index
          %swap3A_386 = arith.index_cast %add3A_334 : i32 to index
          %swap3A_387 = arith.constant 48 : index
          %swap3A_388 = tpu.vector_load %arg6[%swap3A_385, %swap3A_386, %swap3A_387] {strides = array<i32>} : memref<2x640x64xf32, #tpu.memory_space<vmem>>, vector<1x1x16xf32>,
          %swap3A_389 = vector.shape_cast %swap3A_388 : vector<1x1x16xf32> to vector<16xf32>
          %swap3A_390 = vector.shape_cast %mul3A_383 : vector<16xf32> to vector<1x1x16xf32>
          tpu.vector_store %arg6[%swap3A_385, %swap3A_386, %swap3A_387], %swap3A_390 {strides = array<i32>} : memref<2x640x64xf32, #tpu.memory_space<vmem>>, vector<1x1x16xf32>,
          %scan3A_391 = arith.constant 3 : i32
          %scan3A_392 = arith.addi %scan3A_202, %scan3A_391 : i32
          %broadcast_in_dim3A_393 = vector.broadcast %scan3A_392 : i32 to vector<16x1xi32>
          %gather3A_394 = vector.shape_cast %broadcast_in_dim3A_393 : vector<16x1xi32> to vector<16xi32>
          %gather3A_395 = tpu.dynamic_gather %select_n3A[%gather3A_394] in [0] : vector<16xf32>, vector<16xi32> -> vector<16xf32>
          %mul3A_396 = arith.constant 16 : i32
          %mul3A_397 = arith.muli %scan3A_164, %mul3A_396 : i32
          %add3A_398 = arith.addi %mul3A_397, %scan3A_392 : i32
          %get3A_399 = arith.constant 1 : i32
          %get3A_400 = arith.index_cast %get3A_399 : i32 to index
          %get3A_401 = arith.index_cast %add3A_398 : i32 to index
          %get3A_402 = arith.constant 0 : index
          %get3A_403 = tpu.vector_load %arg6[%get3A_400, %get3A_401, %get3A_402] {strides = array<i32>} : memref<2x640x64xf32, #tpu.memory_space<vmem>>, vector<1x1x16xf32>,
          %get3A_404 = vector.shape_cast %get3A_403 : vector<1x1x16xf32> to vector<16xf32>
          %mul3A_405 = arith.mulf %get3A_404, %gather3A_395 : vector<16xf32>
          %swap3A_406 = arith.constant 1 : i32
          %swap3A_407 = arith.index_cast %swap3A_406 : i32 to index
          %swap3A_408 = arith.index_cast %add3A_398 : i32 to index
          %swap3A_409 = arith.constant 0 : index
          %swap3A_410 = tpu.vector_load %arg6[%swap3A_407, %swap3A_408, %swap3A_409] {strides = array<i32>} : memref<2x640x64xf32, #tpu.memory_space<vmem>>, vector<1x1x16xf32>,
          %swap3A_411 = vector.shape_cast %swap3A_410 : vector<1x1x16xf32> to vector<16xf32>
          %swap3A_412 = vector.shape_cast %mul3A_405 : vector<16xf32> to vector<1x1x16xf32>
          tpu.vector_store %arg6[%swap3A_407, %swap3A_408, %swap3A_409], %swap3A_412 {strides = array<i32>} : memref<2x640x64xf32, #tpu.memory_space<vmem>>, vector<1x1x16xf32>,
          %get3A_413 = arith.constant 1 : i32
          %get3A_414 = arith.index_cast %get3A_413 : i32 to index
          %get3A_415 = arith.index_cast %add3A_398 : i32 to index
          %get3A_416 = arith.constant 16 : index
          %get3A_417 = tpu.vector_load %arg6[%get3A_414, %get3A_415, %get3A_416] {strides = array<i32>} : memref<2x640x64xf32, #tpu.memory_space<vmem>>, vector<1x1x16xf32>,
          %get3A_418 = vector.shape_cast %get3A_417 : vector<1x1x16xf32> to vector<16xf32>
          %mul3A_419 = arith.mulf %get3A_418, %gather3A_395 : vector<16xf32>
          %swap3A_420 = arith.constant 1 : i32
          %swap3A_421 = arith.index_cast %swap3A_420 : i32 to index
          %swap3A_422 = arith.index_cast %add3A_398 : i32 to index
          %swap3A_423 = arith.constant 16 : index
          %swap3A_424 = tpu.vector_load %arg6[%swap3A_421, %swap3A_422, %swap3A_423] {strides = array<i32>} : memref<2x640x64xf32, #tpu.memory_space<vmem>>, vector<1x1x16xf32>,
          %swap3A_425 = vector.shape_cast %swap3A_424 : vector<1x1x16xf32> to vector<16xf32>
          %swap3A_426 = vector.shape_cast %mul3A_419 : vector<16xf32> to vector<1x1x16xf32>
          tpu.vector_store %arg6[%swap3A_421, %swap3A_422, %swap3A_423], %swap3A_426 {strides = array<i32>} : memref<2x640x64xf32, #tpu.memory_space<vmem>>, vector<1x1x16xf32>,
          %get3A_427 = arith.constant 1 : i32
          %get3A_428 = arith.index_cast %get3A_427 : i32 to index
          %get3A_429 = arith.index_cast %add3A_398 : i32 to index
          %get3A_430 = arith.constant 32 : index
          %get3A_431 = tpu.vector_load %arg6[%get3A_428, %get3A_429, %get3A_430] {strides = array<i32>} : memref<2x640x64xf32, #tpu.memory_space<vmem>>, vector<1x1x16xf32>,
          %get3A_432 = vector.shape_cast %get3A_431 : vector<1x1x16xf32> to vector<16xf32>
          %mul3A_433 = arith.mulf %get3A_432, %gather3A_395 : vector<16xf32>
          %swap3A_434 = arith.constant 1 : i32
          %swap3A_435 = arith.index_cast %swap3A_434 : i32 to index
          %swap3A_436 = arith.index_cast %add3A_398 : i32 to index
          %swap3A_437 = arith.constant 32 : index
          %swap3A_438 = tpu.vector_load %arg6[%swap3A_435, %swap3A_436, %swap3A_437] {strides = array<i32>} : memref<2x640x64xf32, #tpu.memory_space<vmem>>, vector<1x1x16xf32>,
          %swap3A_439 = vector.shape_cast %swap3A_438 : vector<1x1x16xf32> to vector<16xf32>
          %swap3A_440 = vector.shape_cast %mul3A_433 : vector<16xf32> to vector<1x1x16xf32>
          tpu.vector_store %arg6[%swap3A_435, %swap3A_436, %swap3A_437], %swap3A_440 {strides = array<i32>} : memref<2x640x64xf32, #tpu.memory_space<vmem>>, vector<1x1x16xf32>,
          %get3A_441 = arith.constant 1 : i32
          %get3A_442 = arith.index_cast %get3A_441 : i32 to index
          %get3A_443 = arith.index_cast %add3A_398 : i32 to index
          %get3A_444 = arith.constant 48 : index
          %get3A_445 = tpu.vector_load %arg6[%get3A_442, %get3A_443, %get3A_444] {strides = array<i32>} : memref<2x640x64xf32, #tpu.memory_space<vmem>>, vector<1x1x16xf32>,
          %get3A_446 = vector.shape_cast %get3A_445 : vector<1x1x16xf32> to vector<16xf32>
          %mul3A_447 = arith.mulf %get3A_446, %gather3A_395 : vector<16xf32>
          %swap3A_448 = arith.constant 1 : i32
          %swap3A_449 = arith.index_cast %swap3A_448 : i32 to index
          %swap3A_450 = arith.index_cast %add3A_398 : i32 to index
          %swap3A_451 = arith.constant 48 : index
          %swap3A_452 = tpu.vector_load %arg6[%swap3A_449, %swap3A_450, %swap3A_451] {strides = array<i32>} : memref<2x640x64xf32, #tpu.memory_space<vmem>>, vector<1x1x16xf32>,
          %swap3A_453 = vector.shape_cast %swap3A_452 : vector<1x1x16xf32> to vector<16xf32>
          %swap3A_454 = vector.shape_cast %mul3A_447 : vector<16xf32> to vector<1x1x16xf32>
          tpu.vector_store %arg6[%swap3A_449, %swap3A_450, %swap3A_451], %swap3A_454 {strides = array<i32>} : memref<2x640x64xf32, #tpu.memory_space<vmem>>, vector<1x1x16xf32>,
        }
        %scan3A_179 = arith.constant 16 : i32
        %scan3A_180 = arith.constant 1 : i32
        %scan3A_181 = arith.addi %scan3A_164, %scan3A_180 : i32
        %mul3A_182 = arith.constant 16 : i32
        %mul3A_183 = arith.muli %scan3A_181, %mul3A_182 : i32
        %get3A_184 = arith.index_cast %add3A_116 : i32 to index
        %get3A_185 = arith.index_cast %mul3A_183 : i32 to index
        %get3A_186 = tpu.vector_load %arg5[%get3A_184, %get3A_185] {strides = array<i32>} : memref<40x640xi32, #tpu.memory_space<vmem>>, vector<1x16xi32>,
        %get3A_187 = vector.shape_cast %get3A_186 : vector<1x16xi32> to vector<16xi32>
        %ne3A_188 = arith.constant 0 : i32
        %ne3A_189 = vector.broadcast %ne3A_188 : i32 to vector<16xi32>
        %ne3A_190 = arith.cmpi ne, %get3A_187, %ne3A_189 : vector<16xi32>
        %jit3A_191 = arith.constant 8.000000e+00 : f32
        %jit3A_192 = arith.constant 0.000000e+00 : f32
        %broadcast_in_dim3A_193 = vector.broadcast %jit3A_191 : f32 to vector<16xf32>
        %broadcast_in_dim3A_194 = vector.broadcast %jit3A_192 : f32 to vector<16xf32>
        %select_n3A_195 = arith.select %ne3A_190, %broadcast_in_dim3A_193, %broadcast_in_dim3A_194 : vector<16xi1>, vector<16xf32>
        %scan3A_196 = arith.constant 0 : i32
        %scan3A_197 = arith.constant 0 : i32
        %scan3A_198 = arith.constant 16 : i32
        %scan3A_199 = arith.addi %scan3A_197, %scan3A_198 : i32
        %scan3A_200 = arith.constant 4 : i32
        scf.for %scan3A_202 = %scan3A_197 to %scan3A_199 step %scan3A_200  : i32 {
          %broadcast_in_dim3A_203 = vector.broadcast %scan3A_202 : i32 to vector<16x1xi32>
          %gather3A = vector.shape_cast %broadcast_in_dim3A_203 : vector<16x1xi32> to vector<16xi32>
          %gather3A_204 = tpu.dynamic_gather %select_n3A_195[%gather3A] in [0] : vector<16xf32>, vector<16xi32> -> vector<16xf32>
          %mul3A_205 = arith.constant 16 : i32
          %mul3A_206 = arith.muli %scan3A_181, %mul3A_205 : i32
          %add3A_207 = arith.addi %mul3A_206, %scan3A_202 : i32
          %get3A_208 = arith.constant 1 : i32
          %get3A_209 = arith.index_cast %get3A_208 : i32 to index
          %get3A_210 = arith.index_cast %add3A_207 : i32 to index
          %get3A_211 = arith.constant 0 : index
          %get3A_212 = tpu.vector_load %arg6[%get3A_209, %get3A_210, %get3A_211] {strides = array<i32>} : memref<2x640x64xf32, #tpu.memory_space<vmem>>, vector<1x1x16xf32>,
          %get3A_213 = vector.shape_cast %get3A_212 : vector<1x1x16xf32> to vector<16xf32>
          %mul3A_214 = arith.mulf %get3A_213, %gather3A_204 : vector<16xf32>
          %swap3A = arith.constant 1 : i32
          %swap3A_215 = arith.index_cast %swap3A : i32 to index
          %swap3A_216 = arith.index_cast %add3A_207 : i32 to index
          %swap3A_217 = arith.constant 0 : index
          %swap3A_218 = tpu.vector_load %arg6[%swap3A_215, %swap3A_216, %swap3A_217] {strides = array<i32>} : memref<2x640x64xf32, #tpu.memory_space<vmem>>, vector<1x1x16xf32>,
          %swap3A_219 = vector.shape_cast %swap3A_218 : vector<1x1x16xf32> to vector<16xf32>
          %swap3A_220 = vector.shape_cast %mul3A_214 : vector<16xf32> to vector<1x1x16xf32>
          tpu.vector_store %arg6[%swap3A_215, %swap3A_216, %swap3A_217], %swap3A_220 {strides = array<i32>} : memref<2x640x64xf32, #tpu.memory_space<vmem>>, vector<1x1x16xf32>,
          %get3A_221 = arith.constant 1 : i32
          %get3A_222 = arith.index_cast %get3A_221 : i32 to index
          %get3A_223 = arith.index_cast %add3A_207 : i32 to index
          %get3A_224 = arith.constant 16 : index
          %get3A_225 = tpu.vector_load %arg6[%get3A_222, %get3A_223, %get3A_224] {strides = array<i32>} : memref<2x640x64xf32, #tpu.memory_space<vmem>>, vector<1x1x16xf32>,
          %get3A_226 = vector.shape_cast %get3A_225 : vector<1x1x16xf32> to vector<16xf32>
          %mul3A_227 = arith.mulf %get3A_226, %gather3A_204 : vector<16xf32>
          %swap3A_228 = arith.constant 1 : i32
          %swap3A_229 = arith.index_cast %swap3A_228 : i32 to index
          %swap3A_230 = arith.index_cast %add3A_207 : i32 to index
          %swap3A_231 = arith.constant 16 : index
          %swap3A_232 = tpu.vector_load %arg6[%swap3A_229, %swap3A_230, %swap3A_231] {strides = array<i32>} : memref<2x640x64xf32, #tpu.memory_space<vmem>>, vector<1x1x16xf32>,
          %swap3A_233 = vector.shape_cast %swap3A_232 : vector<1x1x16xf32> to vector<16xf32>
          %swap3A_234 = vector.shape_cast %mul3A_227 : vector<16xf32> to vector<1x1x16xf32>
          tpu.vector_store %arg6[%swap3A_229, %swap3A_230, %swap3A_231], %swap3A_234 {strides = array<i32>} : memref<2x640x64xf32, #tpu.memory_space<vmem>>, vector<1x1x16xf32>,
          %get3A_235 = arith.constant 1 : i32
          %get3A_236 = arith.index_cast %get3A_235 : i32 to index
          %get3A_237 = arith.index_cast %add3A_207 : i32 to index
          %get3A_238 = arith.constant 32 : index
          %get3A_239 = tpu.vector_load %arg6[%get3A_236, %get3A_237, %get3A_238] {strides = array<i32>} : memref<2x640x64xf32, #tpu.memory_space<vmem>>, vector<1x1x16xf32>,
          %get3A_240 = vector.shape_cast %get3A_239 : vector<1x1x16xf32> to vector<16xf32>
          %mul3A_241 = arith.mulf %get3A_240, %gather3A_204 : vector<16xf32>
          %swap3A_242 = arith.constant 1 : i32
          %swap3A_243 = arith.index_cast %swap3A_242 : i32 to index
          %swap3A_244 = arith.index_cast %add3A_207 : i32 to index
          %swap3A_245 = arith.constant 32 : index
          %swap3A_246 = tpu.vector_load %arg6[%swap3A_243, %swap3A_244, %swap3A_245] {strides = array<i32>} : memref<2x640x64xf32, #tpu.memory_space<vmem>>, vector<1x1x16xf32>,
          %swap3A_247 = vector.shape_cast %swap3A_246 : vector<1x1x16xf32> to vector<16xf32>
          %swap3A_248 = vector.shape_cast %mul3A_241 : vector<16xf32> to vector<1x1x16xf32>
          tpu.vector_store %arg6[%swap3A_243, %swap3A_244, %swap3A_245], %swap3A_248 {strides = array<i32>} : memref<2x640x64xf32, #tpu.memory_space<vmem>>, vector<1x1x16xf32>,
          %get3A_249 = arith.constant 1 : i32
          %get3A_250 = arith.index_cast %get3A_249 : i32 to index
          %get3A_251 = arith.index_cast %add3A_207 : i32 to index
          %get3A_252 = arith.constant 48 : index
          %get3A_253 = tpu.vector_load %arg6[%get3A_250, %get3A_251, %get3A_252] {strides = array<i32>} : memref<2x640x64xf32, #tpu.memory_space<vmem>>, vector<1x1x16xf32>,
          %get3A_254 = vector.shape_cast %get3A_253 : vector<1x1x16xf32> to vector<16xf32>
          %mul3A_255 = arith.mulf %get3A_254, %gather3A_204 : vector<16xf32>
          %swap3A_256 = arith.constant 1 : i32
          %swap3A_257 = arith.index_cast %swap3A_256 : i32 to index
          %swap3A_258 = arith.index_cast %add3A_207 : i32 to index
          %swap3A_259 = arith.constant 48 : index
          %swap3A_260 = tpu.vector_load %arg6[%swap3A_257, %swap3A_258, %swap3A_259] {strides = array<i32>} : memref<2x640x64xf32, #tpu.memory_space<vmem>>, vector<1x1x16xf32>,
          %swap3A_261 = vector.shape_cast %swap3A_260 : vector<1x1x16xf32> to vector<16xf32>
          %swap3A_262 = vector.shape_cast %mul3A_255 : vector<16xf32> to vector<1x1x16xf32>
          tpu.vector_store %arg6[%swap3A_257, %swap3A_258, %swap3A_259], %swap3A_262 {strides = array<i32>} : memref<2x640x64xf32, #tpu.memory_space<vmem>>, vector<1x1x16xf32>,
          %scan3A_263 = arith.constant 1 : i32
          %scan3A_264 = arith.addi %scan3A_202, %scan3A_263 : i32
          %broadcast_in_dim3A_265 = vector.broadcast %scan3A_264 : i32 to vector<16x1xi32>
          %gather3A_266 = vector.shape_cast %broadcast_in_dim3A_265 : vector<16x1xi32> to vector<16xi32>
          %gather3A_267 = tpu.dynamic_gather %select_n3A_195[%gather3A_266] in [0] : vector<16xf32>, vector<16xi32> -> vector<16xf32>
          %mul3A_268 = arith.constant 16 : i32
          %mul3A_269 = arith.muli %scan3A_181, %mul3A_268 : i32
          %add3A_270 = arith.addi %mul3A_269, %scan3A_264 : i32
          %get3A_271 = arith.constant 1 : i32
          %get3A_272 = arith.index_cast %get3A_271 : i32 to index
          %get3A_273 = arith.index_cast %add3A_270 : i32 to index
          %get3A_274 = arith.constant 0 : index
          %get3A_275 = tpu.vector_load %arg6[%get3A_272, %get3A_273, %get3A_274] {strides = array<i32>} : memref<2x640x64xf32, #tpu.memory_space<vmem>>, vector<1x1x16xf32>,
          %get3A_276 = vector.shape_cast %get3A_275 : vector<1x1x16xf32> to vector<16xf32>
          %mul3A_277 = arith.mulf %get3A_276, %gather3A_267 : vector<16xf32>
          %swap3A_278 = arith.constant 1 : i32
          %swap3A_279 = arith.index_cast %swap3A_278 : i32 to index
          %swap3A_280 = arith.index_cast %add3A_270 : i32 to index
          %swap3A_281 = arith.constant 0 : index
          %swap3A_282 = tpu.vector_load %arg6[%swap3A_279, %swap3A_280, %swap3A_281] {strides = array<i32>} : memref<2x640x64xf32, #tpu.memory_space<vmem>>, vector<1x1x16xf32>,
          %swap3A_283 = vector.shape_cast %swap3A_282 : vector<1x1x16xf32> to vector<16xf32>
          %swap3A_284 = vector.shape_cast %mul3A_277 : vector<16xf32> to vector<1x1x16xf32>
          tpu.vector_store %arg6[%swap3A_279, %swap3A_280, %swap3A_281], %swap3A_284 {strides = array<i32>} : memref<2x640x64xf32, #tpu.memory_space<vmem>>, vector<1x1x16xf32>,
          %get3A_285 = arith.constant 1 : i32
          %get3A_286 = arith.index_cast %get3A_285 : i32 to index
          %get3A_287 = arith.index_cast %add3A_270 : i32 to index
          %get3A_288 = arith.constant 16 : index
          %get3A_289 = tpu.vector_load %arg6[%get3A_286, %get3A_287, %get3A_288] {strides = array<i32>} : memref<2x640x64xf32, #tpu.memory_space<vmem>>, vector<1x1x16xf32>,
          %get3A_290 = vector.shape_cast %get3A_289 : vector<1x1x16xf32> to vector<16xf32>
          %mul3A_291 = arith.mulf %get3A_290, %gather3A_267 : vector<16xf32>
          %swap3A_292 = arith.constant 1 : i32
          %swap3A_293 = arith.index_cast %swap3A_292 : i32 to index
          %swap3A_294 = arith.index_cast %add3A_270 : i32 to index
          %swap3A_295 = arith.constant 16 : index
          %swap3A_296 = tpu.vector_load %arg6[%swap3A_293, %swap3A_294, %swap3A_295] {strides = array<i32>} : memref<2x640x64xf32, #tpu.memory_space<vmem>>, vector<1x1x16xf32>,
          %swap3A_297 = vector.shape_cast %swap3A_296 : vector<1x1x16xf32> to vector<16xf32>
          %swap3A_298 = vector.shape_cast %mul3A_291 : vector<16xf32> to vector<1x1x16xf32>
          tpu.vector_store %arg6[%swap3A_293, %swap3A_294, %swap3A_295], %swap3A_298 {strides = array<i32>} : memref<2x640x64xf32, #tpu.memory_space<vmem>>, vector<1x1x16xf32>,
          %get3A_299 = arith.constant 1 : i32
          %get3A_300 = arith.index_cast %get3A_299 : i32 to index
          %get3A_301 = arith.index_cast %add3A_270 : i32 to index
          %get3A_302 = arith.constant 32 : index
          %get3A_303 = tpu.vector_load %arg6[%get3A_300, %get3A_301, %get3A_302] {strides = array<i32>} : memref<2x640x64xf32, #tpu.memory_space<vmem>>, vector<1x1x16xf32>,
          %get3A_304 = vector.shape_cast %get3A_303 : vector<1x1x16xf32> to vector<16xf32>
          %mul3A_305 = arith.mulf %get3A_304, %gather3A_267 : vector<16xf32>
          %swap3A_306 = arith.constant 1 : i32
          %swap3A_307 = arith.index_cast %swap3A_306 : i32 to index
          %swap3A_308 = arith.index_cast %add3A_270 : i32 to index
          %swap3A_309 = arith.constant 32 : index
          %swap3A_310 = tpu.vector_load %arg6[%swap3A_307, %swap3A_308, %swap3A_309] {strides = array<i32>} : memref<2x640x64xf32, #tpu.memory_space<vmem>>, vector<1x1x16xf32>,
          %swap3A_311 = vector.shape_cast %swap3A_310 : vector<1x1x16xf32> to vector<16xf32>
          %swap3A_312 = vector.shape_cast %mul3A_305 : vector<16xf32> to vector<1x1x16xf32>
          tpu.vector_store %arg6[%swap3A_307, %swap3A_308, %swap3A_309], %swap3A_312 {strides = array<i32>} : memref<2x640x64xf32, #tpu.memory_space<vmem>>, vector<1x1x16xf32>,
          %get3A_313 = arith.constant 1 : i32
          %get3A_314 = arith.index_cast %get3A_313 : i32 to index
          %get3A_315 = arith.index_cast %add3A_270 : i32 to index
          %get3A_316 = arith.constant 48 : index
          %get3A_317 = tpu.vector_load %arg6[%get3A_314, %get3A_315, %get3A_316] {strides = array<i32>} : memref<2x640x64xf32, #tpu.memory_space<vmem>>, vector<1x1x16xf32>,
          %get3A_318 = vector.shape_cast %get3A_317 : vector<1x1x16xf32> to vector<16xf32>
          %mul3A_319 = arith.mulf %get3A_318, %gather3A_267 : vector<16xf32>
          %swap3A_320 = arith.constant 1 : i32
          %swap3A_321 = arith.index_cast %swap3A_320 : i32 to index
          %swap3A_322 = arith.index_cast %add3A_270 : i32 to index
          %swap3A_323 = arith.constant 48 : index
          %swap3A_324 = tpu.vector_load %arg6[%swap3A_321, %swap3A_322, %swap3A_323] {strides = array<i32>} : memref<2x640x64xf32, #tpu.memory_space<vmem>>, vector<1x1x16xf32>,
          %swap3A_325 = vector.shape_cast %swap3A_324 : vector<1x1x16xf32> to vector<16xf32>
          %swap3A_326 = vector.shape_cast %mul3A_319 : vector<16xf32> to vector<1x1x16xf32>
          tpu.vector_store %arg6[%swap3A_321, %swap3A_322, %swap3A_323], %swap3A_326 {strides = array<i32>} : memref<2x640x64xf32, #tpu.memory_space<vmem>>, vector<1x1x16xf32>,
          %scan3A_327 = arith.constant 2 : i32
          %scan3A_328 = arith.addi %scan3A_202, %scan3A_327 : i32
          %broadcast_in_dim3A_329 = vector.broadcast %scan3A_328 : i32 to vector<16x1xi32>
          %gather3A_330 = vector.shape_cast %broadcast_in_dim3A_329 : vector<16x1xi32> to vector<16xi32>
          %gather3A_331 = tpu.dynamic_gather %select_n3A_195[%gather3A_330] in [0] : vector<16xf32>, vector<16xi32> -> vector<16xf32>
          %mul3A_332 = arith.constant 16 : i32
          %mul3A_333 = arith.muli %scan3A_181, %mul3A_332 : i32
          %add3A_334 = arith.addi %mul3A_333, %scan3A_328 : i32
          %get3A_335 = arith.constant 1 : i32
          %get3A_336 = arith.index_cast %get3A_335 : i32 to index
          %get3A_337 = arith.index_cast %add3A_334 : i32 to index
          %get3A_338 = arith.constant 0 : index
          %get3A_339 = tpu.vector_load %arg6[%get3A_336, %get3A_337, %get3A_338] {strides = array<i32>} : memref<2x640x64xf32, #tpu.memory_space<vmem>>, vector<1x1x16xf32>,
          %get3A_340 = vector.shape_cast %get3A_339 : vector<1x1x16xf32> to vector<16xf32>
          %mul3A_341 = arith.mulf %get3A_340, %gather3A_331 : vector<16xf32>
          %swap3A_342 = arith.constant 1 : i32
          %swap3A_343 = arith.index_cast %swap3A_342 : i32 to index
          %swap3A_344 = arith.index_cast %add3A_334 : i32 to index
          %swap3A_345 = arith.constant 0 : index
          %swap3A_346 = tpu.vector_load %arg6[%swap3A_343, %swap3A_344, %swap3A_345] {strides = array<i32>} : memref<2x640x64xf32, #tpu.memory_space<vmem>>, vector<1x1x16xf32>,
          %swap3A_347 = vector.shape_cast %swap3A_346 : vector<1x1x16xf32> to vector<16xf32>
          %swap3A_348 = vector.shape_cast %mul3A_341 : vector<16xf32> to vector<1x1x16xf32>
          tpu.vector_store %arg6[%swap3A_343, %swap3A_344, %swap3A_345], %swap3A_348 {strides = array<i32>} : memref<2x640x64xf32, #tpu.memory_space<vmem>>, vector<1x1x16xf32>,
          %get3A_349 = arith.constant 1 : i32
          %get3A_350 = arith.index_cast %get3A_349 : i32 to index
          %get3A_351 = arith.index_cast %add3A_334 : i32 to index
          %get3A_352 = arith.constant 16 : index
          %get3A_353 = tpu.vector_load %arg6[%get3A_350, %get3A_351, %get3A_352] {strides = array<i32>} : memref<2x640x64xf32, #tpu.memory_space<vmem>>, vector<1x1x16xf32>,
          %get3A_354 = vector.shape_cast %get3A_353 : vector<1x1x16xf32> to vector<16xf32>
          %mul3A_355 = arith.mulf %get3A_354, %gather3A_331 : vector<16xf32>
          %swap3A_356 = arith.constant 1 : i32
          %swap3A_357 = arith.index_cast %swap3A_356 : i32 to index
          %swap3A_358 = arith.index_cast %add3A_334 : i32 to index
          %swap3A_359 = arith.constant 16 : index
          %swap3A_360 = tpu.vector_load %arg6[%swap3A_357, %swap3A_358, %swap3A_359] {strides = array<i32>} : memref<2x640x64xf32, #tpu.memory_space<vmem>>, vector<1x1x16xf32>,
          %swap3A_361 = vector.shape_cast %swap3A_360 : vector<1x1x16xf32> to vector<16xf32>
          %swap3A_362 = vector.shape_cast %mul3A_355 : vector<16xf32> to vector<1x1x16xf32>
          tpu.vector_store %arg6[%swap3A_357, %swap3A_358, %swap3A_359], %swap3A_362 {strides = array<i32>} : memref<2x640x64xf32, #tpu.memory_space<vmem>>, vector<1x1x16xf32>,
          %get3A_363 = arith.constant 1 : i32
          %get3A_364 = arith.index_cast %get3A_363 : i32 to index
          %get3A_365 = arith.index_cast %add3A_334 : i32 to index
          %get3A_366 = arith.constant 32 : index
          %get3A_367 = tpu.vector_load %arg6[%get3A_364, %get3A_365, %get3A_366] {strides = array<i32>} : memref<2x640x64xf32, #tpu.memory_space<vmem>>, vector<1x1x16xf32>,
          %get3A_368 = vector.shape_cast %get3A_367 : vector<1x1x16xf32> to vector<16xf32>
          %mul3A_369 = arith.mulf %get3A_368, %gather3A_331 : vector<16xf32>
          %swap3A_370 = arith.constant 1 : i32
          %swap3A_371 = arith.index_cast %swap3A_370 : i32 to index
          %swap3A_372 = arith.index_cast %add3A_334 : i32 to index
          %swap3A_373 = arith.constant 32 : index
          %swap3A_374 = tpu.vector_load %arg6[%swap3A_371, %swap3A_372, %swap3A_373] {strides = array<i32>} : memref<2x640x64xf32, #tpu.memory_space<vmem>>, vector<1x1x16xf32>,
          %swap3A_375 = vector.shape_cast %swap3A_374 : vector<1x1x16xf32> to vector<16xf32>
          %swap3A_376 = vector.shape_cast %mul3A_369 : vector<16xf32> to vector<1x1x16xf32>
          tpu.vector_store %arg6[%swap3A_371, %swap3A_372, %swap3A_373], %swap3A_376 {strides = array<i32>} : memref<2x640x64xf32, #tpu.memory_space<vmem>>, vector<1x1x16xf32>,
          %get3A_377 = arith.constant 1 : i32
          %get3A_378 = arith.index_cast %get3A_377 : i32 to index
          %get3A_379 = arith.index_cast %add3A_334 : i32 to index
          %get3A_380 = arith.constant 48 : index
          %get3A_381 = tpu.vector_load %arg6[%get3A_378, %get3A_379, %get3A_380] {strides = array<i32>} : memref<2x640x64xf32, #tpu.memory_space<vmem>>, vector<1x1x16xf32>,
          %get3A_382 = vector.shape_cast %get3A_381 : vector<1x1x16xf32> to vector<16xf32>
          %mul3A_383 = arith.mulf %get3A_382, %gather3A_331 : vector<16xf32>
          %swap3A_384 = arith.constant 1 : i32
          %swap3A_385 = arith.index_cast %swap3A_384 : i32 to index
          %swap3A_386 = arith.index_cast %add3A_334 : i32 to index
          %swap3A_387 = arith.constant 48 : index
          %swap3A_388 = tpu.vector_load %arg6[%swap3A_385, %swap3A_386, %swap3A_387] {strides = array<i32>} : memref<2x640x64xf32, #tpu.memory_space<vmem>>, vector<1x1x16xf32>,
          %swap3A_389 = vector.shape_cast %swap3A_388 : vector<1x1x16xf32> to vector<16xf32>
          %swap3A_390 = vector.shape_cast %mul3A_383 : vector<16xf32> to vector<1x1x16xf32>
          tpu.vector_store %arg6[%swap3A_385, %swap3A_386, %swap3A_387], %swap3A_390 {strides = array<i32>} : memref<2x640x64xf32, #tpu.memory_space<vmem>>, vector<1x1x16xf32>,
          %scan3A_391 = arith.constant 3 : i32
          %scan3A_392 = arith.addi %scan3A_202, %scan3A_391 : i32
          %broadcast_in_dim3A_393 = vector.broadcast %scan3A_392 : i32 to vector<16x1xi32>
          %gather3A_394 = vector.shape_cast %broadcast_in_dim3A_393 : vector<16x1xi32> to vector<16xi32>
          %gather3A_395 = tpu.dynamic_gather %select_n3A_195[%gather3A_394] in [0] : vector<16xf32>, vector<16xi32> -> vector<16xf32>
          %mul3A_396 = arith.constant 16 : i32
          %mul3A_397 = arith.muli %scan3A_181, %mul3A_396 : i32
          %add3A_398 = arith.addi %mul3A_397, %scan3A_392 : i32
          %get3A_399 = arith.constant 1 : i32
          %get3A_400 = arith.index_cast %get3A_399 : i32 to index
          %get3A_401 = arith.index_cast %add3A_398 : i32 to index
          %get3A_402 = arith.constant 0 : index
          %get3A_403 = tpu.vector_load %arg6[%get3A_400, %get3A_401, %get3A_402] {strides = array<i32>} : memref<2x640x64xf32, #tpu.memory_space<vmem>>, vector<1x1x16xf32>,
          %get3A_404 = vector.shape_cast %get3A_403 : vector<1x1x16xf32> to vector<16xf32>
          %mul3A_405 = arith.mulf %get3A_404, %gather3A_395 : vector<16xf32>
          %swap3A_406 = arith.constant 1 : i32
          %swap3A_407 = arith.index_cast %swap3A_406 : i32 to index
          %swap3A_408 = arith.index_cast %add3A_398 : i32 to index
          %swap3A_409 = arith.constant 0 : index
          %swap3A_410 = tpu.vector_load %arg6[%swap3A_407, %swap3A_408, %swap3A_409] {strides = array<i32>} : memref<2x640x64xf32, #tpu.memory_space<vmem>>, vector<1x1x16xf32>,
          %swap3A_411 = vector.shape_cast %swap3A_410 : vector<1x1x16xf32> to vector<16xf32>
          %swap3A_412 = vector.shape_cast %mul3A_405 : vector<16xf32> to vector<1x1x16xf32>
          tpu.vector_store %arg6[%swap3A_407, %swap3A_408, %swap3A_409], %swap3A_412 {strides = array<i32>} : memref<2x640x64xf32, #tpu.memory_space<vmem>>, vector<1x1x16xf32>,
          %get3A_413 = arith.constant 1 : i32
          %get3A_414 = arith.index_cast %get3A_413 : i32 to index
          %get3A_415 = arith.index_cast %add3A_398 : i32 to index
          %get3A_416 = arith.constant 16 : index
          %get3A_417 = tpu.vector_load %arg6[%get3A_414, %get3A_415, %get3A_416] {strides = array<i32>} : memref<2x640x64xf32, #tpu.memory_space<vmem>>, vector<1x1x16xf32>,
          %get3A_418 = vector.shape_cast %get3A_417 : vector<1x1x16xf32> to vector<16xf32>
          %mul3A_419 = arith.mulf %get3A_418, %gather3A_395 : vector<16xf32>
          %swap3A_420 = arith.constant 1 : i32
          %swap3A_421 = arith.index_cast %swap3A_420 : i32 to index
          %swap3A_422 = arith.index_cast %add3A_398 : i32 to index
          %swap3A_423 = arith.constant 16 : index
          %swap3A_424 = tpu.vector_load %arg6[%swap3A_421, %swap3A_422, %swap3A_423] {strides = array<i32>} : memref<2x640x64xf32, #tpu.memory_space<vmem>>, vector<1x1x16xf32>,
          %swap3A_425 = vector.shape_cast %swap3A_424 : vector<1x1x16xf32> to vector<16xf32>
          %swap3A_426 = vector.shape_cast %mul3A_419 : vector<16xf32> to vector<1x1x16xf32>
          tpu.vector_store %arg6[%swap3A_421, %swap3A_422, %swap3A_423], %swap3A_426 {strides = array<i32>} : memref<2x640x64xf32, #tpu.memory_space<vmem>>, vector<1x1x16xf32>,
          %get3A_427 = arith.constant 1 : i32
          %get3A_428 = arith.index_cast %get3A_427 : i32 to index
          %get3A_429 = arith.index_cast %add3A_398 : i32 to index
          %get3A_430 = arith.constant 32 : index
          %get3A_431 = tpu.vector_load %arg6[%get3A_428, %get3A_429, %get3A_430] {strides = array<i32>} : memref<2x640x64xf32, #tpu.memory_space<vmem>>, vector<1x1x16xf32>,
          %get3A_432 = vector.shape_cast %get3A_431 : vector<1x1x16xf32> to vector<16xf32>
          %mul3A_433 = arith.mulf %get3A_432, %gather3A_395 : vector<16xf32>
          %swap3A_434 = arith.constant 1 : i32
          %swap3A_435 = arith.index_cast %swap3A_434 : i32 to index
          %swap3A_436 = arith.index_cast %add3A_398 : i32 to index
          %swap3A_437 = arith.constant 32 : index
          %swap3A_438 = tpu.vector_load %arg6[%swap3A_435, %swap3A_436, %swap3A_437] {strides = array<i32>} : memref<2x640x64xf32, #tpu.memory_space<vmem>>, vector<1x1x16xf32>,
          %swap3A_439 = vector.shape_cast %swap3A_438 : vector<1x1x16xf32> to vector<16xf32>
          %swap3A_440 = vector.shape_cast %mul3A_433 : vector<16xf32> to vector<1x1x16xf32>
          tpu.vector_store %arg6[%swap3A_435, %swap3A_436, %swap3A_437], %swap3A_440 {strides = array<i32>} : memref<2x640x64xf32, #tpu.memory_space<vmem>>, vector<1x1x16xf32>,
          %get3A_441 = arith.constant 1 : i32
          %get3A_442 = arith.index_cast %get3A_441 : i32 to index
          %get3A_443 = arith.index_cast %add3A_398 : i32 to index
          %get3A_444 = arith.constant 48 : index
          %get3A_445 = tpu.vector_load %arg6[%get3A_442, %get3A_443, %get3A_444] {strides = array<i32>} : memref<2x640x64xf32, #tpu.memory_space<vmem>>, vector<1x1x16xf32>,
          %get3A_446 = vector.shape_cast %get3A_445 : vector<1x1x16xf32> to vector<16xf32>
          %mul3A_447 = arith.mulf %get3A_446, %gather3A_395 : vector<16xf32>
          %swap3A_448 = arith.constant 1 : i32
          %swap3A_449 = arith.index_cast %swap3A_448 : i32 to index
          %swap3A_450 = arith.index_cast %add3A_398 : i32 to index
          %swap3A_451 = arith.constant 48 : index
          %swap3A_452 = tpu.vector_load %arg6[%swap3A_449, %swap3A_450, %swap3A_451] {strides = array<i32>} : memref<2x640x64xf32, #tpu.memory_space<vmem>>, vector<1x1x16xf32>,
          %swap3A_453 = vector.shape_cast %swap3A_452 : vector<1x1x16xf32> to vector<16xf32>
          %swap3A_454 = vector.shape_cast %mul3A_447 : vector<16xf32> to vector<1x1x16xf32>
          tpu.vector_store %arg6[%swap3A_449, %swap3A_450, %swap3A_451], %swap3A_454 {strides = array<i32>} : memref<2x640x64xf32, #tpu.memory_space<vmem>>, vector<1x1x16xf32>,
        }
        %scan3A_201 = arith.constant 16 : i32
      }
      %scan3A_137 = arith.constant 40 : i32
      %mul3A_138 = arith.constant 640 : i32
      %mul3A_139 = arith.muli %add3A_116, %mul3A_138 : i32
      %add3A_140 = arith.addi %mul3A_2, %mul3A_139 : i32
      %dma_start3A_141 = arith.constant 1 : i32
      %dma_start3A_142 = arith.constant 1 : i32
      %dma_start3A_143 = arith.constant 0 : i32
      %dma_start3A_144 = arith.constant 0 : i32
      %dma_start3A_145 = tpu.memref_slice %arg6[%dma_start3A_141, %dma_start3A_143, %dma_start3A_144] : memref<2x640x64xf32, #tpu.memory_space<vmem>> -> memref<1x640x64xf32, #tpu.memory_space<vmem>>
      %dma_start3A_146 = tpu.memref_squeeze %dma_start3A_145 : memref<1x640x64xf32, #tpu.memory_space<vmem>> -> memref<640x64xf32, #tpu.memory_space<vmem>>
      %dma_start3A_147 = arith.constant 0 : i32
      %dma_start3A_148 = tpu.memref_slice %arg4[%add3A_140, %dma_start3A_147] : memref<819200x64xf32, #tpu.memory_space<hbm>> -> memref<640x64xf32, #tpu.memory_space<hbm>>
      %dma_start3A_149 = tpu.memref_slice %arg8[%dma_start3A_142] : memref<2x!tpu.dma_semaphore, #tpu.memory_space<semaphore_mem>> -> memref<1x!tpu.dma_semaphore, #tpu.memory_space<semaphore_mem>>
      %dma_start3A_150 = tpu.memref_squeeze %dma_start3A_149 : memref<1x!tpu.dma_semaphore, #tpu.memory_space<semaphore_mem>> -> memref<!tpu.dma_semaphore, #tpu.memory_space<semaphore_mem>>
      %dma_start3A_151 = arith.constant 0 : i32
      %dma_start3A_152 = tpu.memref_slice %arg4[%add3A_140, %dma_start3A_151] : memref<819200x64xf32, #tpu.memory_space<hbm>> -> memref<640x64xf32, #tpu.memory_space<hbm>>
      %dma_start3A_153 = arith.constant 0 : i32
      %dma_start3A_154 = arith.constant 0 : i32
      %dma_start3A_155 = tpu.memref_slice %arg6[%dma_start3A_141, %dma_start3A_153, %dma_start3A_154] : memref<2x640x64xf32, #tpu.memory_space<vmem>> -> memref<1x640x64xf32, #tpu.memory_space<vmem>>
      %dma_start3A_156 = tpu.memref_squeeze %dma_start3A_155 : memref<1x640x64xf32, #tpu.memory_space<vmem>> -> memref<640x64xf32, #tpu.memory_space<vmem>>
      tpu.enqueue_dma source(%dma_start3A_156 : memref<640x64xf32, #tpu.memory_space<vmem>>) target(%dma_start3A_152 : memref<640x64xf32, #tpu.memory_space<hbm>>) target_semaphore(%dma_start3A_150 : memref<!tpu.dma_semaphore, #tpu.memory_space<semaphore_mem>>)
      %lt3A = arith.constant 19 : i32
      %lt3A_157 = arith.cmpi slt, %scan3A_68, %lt3A : i32
      %convert_element_type3A = arith.extui %lt3A_157 : i1 to i32
      %cond3A = arith.constant 0 : i32
      %cond3A_158 = arith.cmpi ne, %convert_element_type3A, %cond3A : i32
      scf.if %cond3A_158 {
        %dma_wait3A_164 = arith.constant 0 : i32
        %dma_wait3A_165 = arith.constant 0 : i32
        %dma_wait3A_166 = arith.constant 0 : i32
        %dma_wait3A_167 = arith.constant 0 : i32
        %dma_wait3A_168 = tpu.memref_slice %arg6[%dma_wait3A_164, %dma_wait3A_166, %dma_wait3A_167] : memref<2x640x64xf32, #tpu.memory_space<vmem>> -> memref<1x640x64xf32, #tpu.memory_space<vmem>>
        %dma_wait3A_169 = tpu.memref_squeeze %dma_wait3A_168 : memref<1x640x64xf32, #tpu.memory_space<vmem>> -> memref<640x64xf32, #tpu.memory_space<vmem>>
        %dma_wait3A_170 = arith.constant 0 : i32
        %dma_wait3A_171 = tpu.memref_slice %arg4[%mul3A_2, %dma_wait3A_170] : memref<819200x64xf32, #tpu.memory_space<hbm>> -> memref<640x64xf32, #tpu.memory_space<hbm>>
        %dma_wait3A_172 = tpu.memref_slice %arg8[%dma_wait3A_165] : memref<2x!tpu.dma_semaphore, #tpu.memory_space<semaphore_mem>> -> memref<1x!tpu.dma_semaphore, #tpu.memory_space<semaphore_mem>>
        %dma_wait3A_173 = tpu.memref_squeeze %dma_wait3A_172 : memref<1x!tpu.dma_semaphore, #tpu.memory_space<semaphore_mem>> -> memref<!tpu.dma_semaphore, #tpu.memory_space<semaphore_mem>>
        %dma_wait3A_174 = arith.constant 0 : i32
        %dma_wait3A_175 = tpu.memref_slice %arg4[%mul3A_2, %dma_wait3A_174] : memref<819200x64xf32, #tpu.memory_space<hbm>> -> memref<640x64xf32, #tpu.memory_space<hbm>>
        %dma_wait3A_176 = arith.constant 0 : i32
        %dma_wait3A_177 = arith.constant 0 : i32
        %dma_wait3A_178 = tpu.memref_slice %arg6[%dma_wait3A_164, %dma_wait3A_176, %dma_wait3A_177] : memref<2x640x64xf32, #tpu.memory_space<vmem>> -> memref<1x640x64xf32, #tpu.memory_space<vmem>>
        %dma_wait3A_179 = tpu.memref_squeeze %dma_wait3A_178 : memref<1x640x64xf32, #tpu.memory_space<vmem>> -> memref<640x64xf32, #tpu.memory_space<vmem>>
        tpu.wait_dma2 semaphore(%dma_wait3A_173 : memref<!tpu.dma_semaphore, #tpu.memory_space<semaphore_mem>>) src(%dma_wait3A_179 : memref<640x64xf32, #tpu.memory_space<vmem>>) dst(%dma_wait3A_175 : memref<640x64xf32, #tpu.memory_space<hbm>>)
        %add3A_180 = arith.constant 1 : i32
        %add3A_181 = arith.addi %scan3A_68, %add3A_180 : i32
        %mul3A_182 = arith.constant 2 : i32
        %mul3A_183 = arith.muli %add3A_181, %mul3A_182 : i32
        %add3A_184 = arith.constant 0 : i32
        %add3A_185 = arith.addi %mul3A_183, %add3A_184 : i32
        %dma_start3A_186 = arith.constant 0 : i32
        %dma_start3A_187 = arith.constant 0 : i32
        %dma_start3A_188 = arith.constant 0 : i32
        %dma_start3A_189 = arith.constant 0 : i32
        %dma_start3A_190 = tpu.memref_slice %arg6[%dma_start3A_186, %dma_start3A_188, %dma_start3A_189] : memref<2x640x64xf32, #tpu.memory_space<vmem>> -> memref<1x640x64xf32, #tpu.memory_space<vmem>>
        %dma_start3A_191 = tpu.memref_squeeze %dma_start3A_190 : memref<1x640x64xf32, #tpu.memory_space<vmem>> -> memref<640x64xf32, #tpu.memory_space<vmem>>
        %dma_start3A_192 = arith.constant 0 : i32
        %dma_start3A_193 = tpu.memref_slice %arg5[%add3A_185, %dma_start3A_192] : memref<40x640xi32, #tpu.memory_space<vmem>> -> memref<1x640xi32, #tpu.memory_space<vmem>>
        %dma_start3A_194 = tpu.memref_squeeze %dma_start3A_193 : memref<1x640xi32, #tpu.memory_space<vmem>> -> memref<640xi32, #tpu.memory_space<vmem>>
        %dma_start3A_195 = arith.constant 0 : i32
        %dma_start3A_196 = arith.constant 0 : i32
        %dma_start3A_197 = tpu.memref_slice %arg3[%dma_start3A_195, %dma_start3A_196] : memref<1000000x64xf32, #tpu.memory_space<hbm>> -> memref<1000000x64xf32, #tpu.memory_space<hbm>>
        %dma_start3A_198 = tpu.memref_slice %arg7[%dma_start3A_187] : memref<2x!tpu.dma_semaphore, #tpu.memory_space<semaphore_mem>> -> memref<1x!tpu.dma_semaphore, #tpu.memory_space<semaphore_mem>>
        %dma_start3A_199 = tpu.memref_squeeze %dma_start3A_198 : memref<1x!tpu.dma_semaphore, #tpu.memory_space<semaphore_mem>> -> memref<!tpu.dma_semaphore, #tpu.memory_space<semaphore_mem>>
        tpu.enqueue_indirect_dma source(%dma_start3A_197 : memref<1000000x64xf32, #tpu.memory_space<hbm>>) target(%dma_start3A_191 : memref<640x64xf32, #tpu.memory_space<vmem>>) offsets(%dma_start3A_194 : memref<640xi32, #tpu.memory_space<vmem>>) semaphore(%dma_start3A_199 : memref<!tpu.dma_semaphore, #tpu.memory_space<semaphore_mem>>)
      } else {
      }
      %lt3A_159 = arith.constant 19 : i32
      %lt3A_160 = arith.cmpi slt, %scan3A_68, %lt3A_159 : i32
      %convert_element_type3A_161 = arith.extui %lt3A_160 : i1 to i32
      %cond3A_162 = arith.constant 0 : i32
      %cond3A_163 = arith.cmpi ne, %convert_element_type3A_161, %cond3A_162 : i32
      scf.if %cond3A_163 {
        %dma_wait3A_164 = arith.constant 1 : i32
        %dma_wait3A_165 = arith.constant 1 : i32
        %dma_wait3A_166 = arith.constant 0 : i32
        %dma_wait3A_167 = arith.constant 0 : i32
        %dma_wait3A_168 = tpu.memref_slice %arg6[%dma_wait3A_164, %dma_wait3A_166, %dma_wait3A_167] : memref<2x640x64xf32, #tpu.memory_space<vmem>> -> memref<1x640x64xf32, #tpu.memory_space<vmem>>
        %dma_wait3A_169 = tpu.memref_squeeze %dma_wait3A_168 : memref<1x640x64xf32, #tpu.memory_space<vmem>> -> memref<640x64xf32, #tpu.memory_space<vmem>>
        %dma_wait3A_170 = arith.constant 0 : i32
        %dma_wait3A_171 = tpu.memref_slice %arg4[%mul3A_2, %dma_wait3A_170] : memref<819200x64xf32, #tpu.memory_space<hbm>> -> memref<640x64xf32, #tpu.memory_space<hbm>>
        %dma_wait3A_172 = tpu.memref_slice %arg8[%dma_wait3A_165] : memref<2x!tpu.dma_semaphore, #tpu.memory_space<semaphore_mem>> -> memref<1x!tpu.dma_semaphore, #tpu.memory_space<semaphore_mem>>
        %dma_wait3A_173 = tpu.memref_squeeze %dma_wait3A_172 : memref<1x!tpu.dma_semaphore, #tpu.memory_space<semaphore_mem>> -> memref<!tpu.dma_semaphore, #tpu.memory_space<semaphore_mem>>
        %dma_wait3A_174 = arith.constant 0 : i32
        %dma_wait3A_175 = tpu.memref_slice %arg4[%mul3A_2, %dma_wait3A_174] : memref<819200x64xf32, #tpu.memory_space<hbm>> -> memref<640x64xf32, #tpu.memory_space<hbm>>
        %dma_wait3A_176 = arith.constant 0 : i32
        %dma_wait3A_177 = arith.constant 0 : i32
        %dma_wait3A_178 = tpu.memref_slice %arg6[%dma_wait3A_164, %dma_wait3A_176, %dma_wait3A_177] : memref<2x640x64xf32, #tpu.memory_space<vmem>> -> memref<1x640x64xf32, #tpu.memory_space<vmem>>
        %dma_wait3A_179 = tpu.memref_squeeze %dma_wait3A_178 : memref<1x640x64xf32, #tpu.memory_space<vmem>> -> memref<640x64xf32, #tpu.memory_space<vmem>>
        tpu.wait_dma2 semaphore(%dma_wait3A_173 : memref<!tpu.dma_semaphore, #tpu.memory_space<semaphore_mem>>) src(%dma_wait3A_179 : memref<640x64xf32, #tpu.memory_space<vmem>>) dst(%dma_wait3A_175 : memref<640x64xf32, #tpu.memory_space<hbm>>)
        %add3A_180 = arith.constant 1 : i32
        %add3A_181 = arith.addi %scan3A_68, %add3A_180 : i32
        %mul3A_182 = arith.constant 2 : i32
        %mul3A_183 = arith.muli %add3A_181, %mul3A_182 : i32
        %add3A_184 = arith.constant 1 : i32
        %add3A_185 = arith.addi %mul3A_183, %add3A_184 : i32
        %dma_start3A_186 = arith.constant 1 : i32
        %dma_start3A_187 = arith.constant 1 : i32
        %dma_start3A_188 = arith.constant 0 : i32
        %dma_start3A_189 = arith.constant 0 : i32
        %dma_start3A_190 = tpu.memref_slice %arg6[%dma_start3A_186, %dma_start3A_188, %dma_start3A_189] : memref<2x640x64xf32, #tpu.memory_space<vmem>> -> memref<1x640x64xf32, #tpu.memory_space<vmem>>
        %dma_start3A_191 = tpu.memref_squeeze %dma_start3A_190 : memref<1x640x64xf32, #tpu.memory_space<vmem>> -> memref<640x64xf32, #tpu.memory_space<vmem>>
        %dma_start3A_192 = arith.constant 0 : i32
        %dma_start3A_193 = tpu.memref_slice %arg5[%add3A_185, %dma_start3A_192] : memref<40x640xi32, #tpu.memory_space<vmem>> -> memref<1x640xi32, #tpu.memory_space<vmem>>
        %dma_start3A_194 = tpu.memref_squeeze %dma_start3A_193 : memref<1x640xi32, #tpu.memory_space<vmem>> -> memref<640xi32, #tpu.memory_space<vmem>>
        %dma_start3A_195 = arith.constant 0 : i32
        %dma_start3A_196 = arith.constant 0 : i32
        %dma_start3A_197 = tpu.memref_slice %arg3[%dma_start3A_195, %dma_start3A_196] : memref<1000000x64xf32, #tpu.memory_space<hbm>> -> memref<1000000x64xf32, #tpu.memory_space<hbm>>
        %dma_start3A_198 = tpu.memref_slice %arg7[%dma_start3A_187] : memref<2x!tpu.dma_semaphore, #tpu.memory_space<semaphore_mem>> -> memref<1x!tpu.dma_semaphore, #tpu.memory_space<semaphore_mem>>
        %dma_start3A_199 = tpu.memref_squeeze %dma_start3A_198 : memref<1x!tpu.dma_semaphore, #tpu.memory_space<semaphore_mem>> -> memref<!tpu.dma_semaphore, #tpu.memory_space<semaphore_mem>>
        tpu.enqueue_indirect_dma source(%dma_start3A_197 : memref<1000000x64xf32, #tpu.memory_space<hbm>>) target(%dma_start3A_191 : memref<640x64xf32, #tpu.memory_space<vmem>>) offsets(%dma_start3A_194 : memref<640xi32, #tpu.memory_space<vmem>>) semaphore(%dma_start3A_199 : memref<!tpu.dma_semaphore, #tpu.memory_space<semaphore_mem>>)
      } else {
      }
    }
    %scan3A_36 = arith.constant 20 : i32
    %dma_wait3A = arith.constant 0 : i32
    %dma_wait3A_37 = arith.constant 0 : i32
    %dma_wait3A_38 = arith.constant 0 : i32
    %dma_wait3A_39 = arith.constant 0 : i32
    %dma_wait3A_40 = tpu.memref_slice %arg6[%dma_wait3A, %dma_wait3A_38, %dma_wait3A_39] : memref<2x640x64xf32, #tpu.memory_space<vmem>> -> memref<1x640x64xf32, #tpu.memory_space<vmem>>
    %dma_wait3A_41 = tpu.memref_squeeze %dma_wait3A_40 : memref<1x640x64xf32, #tpu.memory_space<vmem>> -> memref<640x64xf32, #tpu.memory_space<vmem>>
    %dma_wait3A_42 = arith.constant 0 : i32
    %dma_wait3A_43 = tpu.memref_slice %arg4[%mul3A_2, %dma_wait3A_42] : memref<819200x64xf32, #tpu.memory_space<hbm>> -> memref<640x64xf32, #tpu.memory_space<hbm>>
    %dma_wait3A_44 = tpu.memref_slice %arg8[%dma_wait3A_37] : memref<2x!tpu.dma_semaphore, #tpu.memory_space<semaphore_mem>> -> memref<1x!tpu.dma_semaphore, #tpu.memory_space<semaphore_mem>>
    %dma_wait3A_45 = tpu.memref_squeeze %dma_wait3A_44 : memref<1x!tpu.dma_semaphore, #tpu.memory_space<semaphore_mem>> -> memref<!tpu.dma_semaphore, #tpu.memory_space<semaphore_mem>>
    %dma_wait3A_46 = arith.constant 0 : i32
    %dma_wait3A_47 = tpu.memref_slice %arg4[%mul3A_2, %dma_wait3A_46] : memref<819200x64xf32, #tpu.memory_space<hbm>> -> memref<640x64xf32, #tpu.memory_space<hbm>>
    %dma_wait3A_48 = arith.constant 0 : i32
    %dma_wait3A_49 = arith.constant 0 : i32
    %dma_wait3A_50 = tpu.memref_slice %arg6[%dma_wait3A, %dma_wait3A_48, %dma_wait3A_49] : memref<2x640x64xf32, #tpu.memory_space<vmem>> -> memref<1x640x64xf32, #tpu.memory_space<vmem>>
    %dma_wait3A_51 = tpu.memref_squeeze %dma_wait3A_50 : memref<1x640x64xf32, #tpu.memory_space<vmem>> -> memref<640x64xf32, #tpu.memory_space<vmem>>
    tpu.wait_dma2 semaphore(%dma_wait3A_45 : memref<!tpu.dma_semaphore, #tpu.memory_space<semaphore_mem>>) src(%dma_wait3A_51 : memref<640x64xf32, #tpu.memory_space<vmem>>) dst(%dma_wait3A_47 : memref<640x64xf32, #tpu.memory_space<hbm>>)
    %dma_wait3A_52 = arith.constant 1 : i32
    %dma_wait3A_53 = arith.constant 1 : i32
    %dma_wait3A_54 = arith.constant 0 : i32
    %dma_wait3A_55 = arith.constant 0 : i32
    %dma_wait3A_56 = tpu.memref_slice %arg6[%dma_wait3A_52, %dma_wait3A_54, %dma_wait3A_55] : memref<2x640x64xf32, #tpu.memory_space<vmem>> -> memref<1x640x64xf32, #tpu.memory_space<vmem>>
    %dma_wait3A_57 = tpu.memref_squeeze %dma_wait3A_56 : memref<1x640x64xf32, #tpu.memory_space<vmem>> -> memref<640x64xf32, #tpu.memory_space<vmem>>
    %dma_wait3A_58 = arith.constant 0 : i32
    %dma_wait3A_59 = tpu.memref_slice %arg4[%mul3A_2, %dma_wait3A_58] : memref<819200x64xf32, #tpu.memory_space<hbm>> -> memref<640x64xf32, #tpu.memory_space<hbm>>
    %dma_wait3A_60 = tpu.memref_slice %arg8[%dma_wait3A_53] : memref<2x!tpu.dma_semaphore, #tpu.memory_space<semaphore_mem>> -> memref<1x!tpu.dma_semaphore, #tpu.memory_space<semaphore_mem>>
    %dma_wait3A_61 = tpu.memref_squeeze %dma_wait3A_60 : memref<1x!tpu.dma_semaphore, #tpu.memory_space<semaphore_mem>> -> memref<!tpu.dma_semaphore, #tpu.memory_space<semaphore_mem>>
    %dma_wait3A_62 = arith.constant 0 : i32
    %dma_wait3A_63 = tpu.memref_slice %arg4[%mul3A_2, %dma_wait3A_62] : memref<819200x64xf32, #tpu.memory_space<hbm>> -> memref<640x64xf32, #tpu.memory_space<hbm>>
    %dma_wait3A_64 = arith.constant 0 : i32
    %dma_wait3A_65 = arith.constant 0 : i32
    %dma_wait3A_66 = tpu.memref_slice %arg6[%dma_wait3A_52, %dma_wait3A_64, %dma_wait3A_65] : memref<2x640x64xf32, #tpu.memory_space<vmem>> -> memref<1x640x64xf32, #tpu.memory_space<vmem>>
    %dma_wait3A_67 = tpu.memref_squeeze %dma_wait3A_66 : memref<1x640x64xf32, #tpu.memory_space<vmem>> -> memref<640x64xf32, #tpu.memory_space<vmem>>
    tpu.wait_dma2 semaphore(%dma_wait3A_61 : memref<!tpu.dma_semaphore, #tpu.memory_space<semaphore_mem>>) src(%dma_wait3A_67 : memref<640x64xf32, #tpu.memory_space<vmem>>) dst(%dma_wait3A_63 : memref<640x64xf32, #tpu.memory_space<hbm>>)
    return
  }
}

</mosaic_0001>

<sc_bundles>
// kernel: _sc_embed.3.cloned.1.call-start
scs
__scs_entry_jumppad:
0x0: {  	(pc) =	sbr.rel $0x88, $3  }
0x1: {  	(tag) =	ssettag $0x0;
	lr =	simm.s32 $0x1  }
0x2: {  	[smem:$0x3F9F] =	sst lr;
	_ =	strace $0xD0000000  }
0x3: {  	_ = 	snop  }
0x4: {  	_ = 	snop  }
0x5: {  	_ = 	snop  }
0x6: {  	_ = 	snop  }
0x7: {  	_ = 	snop  }
__scs_overlays_trampoline_lowered:
0x8: {  	[smem:$0x3FAE] =	sst s0  }
0x9: {  	[smem:$0x3FAF] =	sst s1  }
0xa: {  	[smem:$0x3FB0] =	sst s2  }
0xb: {  	[smem:$0x3FB1] =	sst s3  }
0xc: {  	[smem:$0x3FB2] =	sst s4  }
0xd: {  	[smem:$0x3FB3] =	sst s5  }
0xe: {  	[smem:$0x3FB4] =	sst s6  }
0xf: {  	[smem:$0x3FB5] =	sst s7  }
0x10: {  	[smem:$0x3FB6] =	sst s8  }
0x11: {  	[smem:$0x3FB7] =	sst s9;
	s0 =	simm.s32 @!p0 $0x0  }
0x12: {  	s1 =	sld [smem:$0x3F9D];
	s0 =	simm.s32 @p0 $0x1  }
0x13: {  	[smem:$0x3FB8] =	sst s0;
	s0 =	simm.s32 @!p1 $0x0  }
0x14: {  	s2 =	sld [smem:$0x3F9C];
	s0 =	simm.s32 @p1 $0x1  }
0x15: {  	[smem:$0x3FB9] =	sst s0;
	s0 =	simm.s32 @!p2 $0x0  }
0x16: {  	s3 =	sld [smem:$0x3FDB];
	s0 =	simm.s32 @p2 $0x1  }
0x17: {  	s4 =	simm.s32 $0x1BF5;
	[smem:$0x3FBB] =	sst s0  }
0x18: {  	s0 =	sld [smem:$0x3F9E];
	_ =	swait.ge [sflag:s4], $0x0  }
0x19: {  	s7 =	sld [smem:$0x3F9F]  }
0x1a: {  	s8 =	sadd.s32 $0xFFFFE003, lr  }
0x1b: {  	s9 =	sadd.s32 $0xFFFFFEF7, lr;
	s5 =	simm.s32 $0xFFFFFFFF;
	p2 =	slt.u32 s8, $0xFFFFF086  }
0x1c: {  	p1 =	slt.u32 s9, $0xF7A;
	s5 =	simm.s32 @!p2 $0x0  }
0x1d: {  	s5 =	simm.s32 @p1 $0x1;
	p0 =	seq.s32 s7, s2  }
0x1e: {  	s7 =	smul.u32 @!p0 $0xF7A, s2;
	p2 =	seq.s32 @!p0 s5, $0x0  }
0x1f: {  	s9 =	smul.u32 $0xF7A, s1;
	s8 =	simm.s32 @!p0 $0x1BF5;
	p2 =	por !p2, p0  }
0x20: {  	[sflag:s8] =	ssyncset.s32 @!p0 $0xFFFFF086;
	s6 =	sadd.s32 @!p0 s3, s7;
	s7 =	simm.s32 @!p0 $0x108  }
0x21: {  	s3 =	sadd.s32 s3, s9;
	s6 =	sadd.s32 @!p0 $0x88, s6;
	s7 =	simm.s32 @p2 $0x1082  }
0x22: {  	[simem:s7], [sflag:s8] =	dma.local @!p0 [hbm:s6], $0xF7A  }
0x23: {  	s9 =	sor.u32 $0xD0000000, s2;
	s6 =	simm.s32 $0x108;
	_ =	swait.ge @!p0 [sflag:s8], $0x0  }
0x24: {  	s3 =	sadd.s32 $0x88, s3;
	s6 =	simm.s32 @!p1 $0x1082;
	[sflag:s4] =	ssyncset.s32 $0xFFFFF086  }
0x25: {  	[simem:s6], [sflag:s4] =	dma.local [hbm:s3], $0xF7A  }
0x26: {  	[smem:$0x3F9F] =	sst s1;
	(tag) =	ssettag s2;
	_ =	strace s9  }
0x27: {  	s1 =	sld [smem:$0x3FAF]  }
0x28: {  	s2 =	sld [smem:$0x3FB0]  }
0x29: {  	s4 =	sld [smem:$0x3FB2]  }
0x2a: {  	p0 =	seq.s32 s5, $0x0;
	s5 =	sld [smem:$0x3FB3]  }
0x2b: {  	s6 =	sld [smem:$0x3FB4]  }
0x2c: {  	s7 =	sld [smem:$0x3FB5]  }
0x2d: {  	s3 =	simm.s32 $0x108;
	s8 =	sld [smem:$0x3FB6]  }
0x2e: {  	s3 =	simm.s32 @!p0 $0x1082;
	s9 =	sld [smem:$0x3FB7]  }
0x2f: {  	lr =	sadd.s32 s0, s3;
	s0 =	sld [smem:$0x3FAE]  }
0x30: {  	s3 =	sld [smem:$0x3FB1]  }
0x31: {  	[smem:$0x3FBA] =	sst s10  }
0x32: {  	s10 =	sld [smem:$0x3FB8];
	_ =	sdelay $0x3  }
0x33: {  	p0 =	seq.s32 s10, $0x1;
	s10 =	sld [smem:$0x3FBA];
	_ =	sdelay $0x3  }
0x34: {  	[smem:$0x3FBA] =	sst s10  }
0x35: {  	s10 =	sld [smem:$0x3FB9];
	_ =	sdelay $0x3  }
0x36: {  	p1 =	seq.s32 s10, $0x1;
	s10 =	sld [smem:$0x3FBA];
	_ =	sdelay $0x3  }
0x37: {  	[smem:$0x3FBA] =	sst s10  }
0x38: {  	s10 =	sld [smem:$0x3FBB]  }
0x39: {  	_ = 	snop;
	(pc) =	sbr.ind lr, $3  }
0x3a: {  	_ = 	snop  }
0x3b: {  	_ = 	snop  }
0x3c: {  	p2 =	seq.s32 s10, $0x1;
	s10 =	sld [smem:$0x3FBA]  }
0x3d: {  	_ =	shalt  }
0x3e: {  	_ =	shalt  }
0x3f: {  	_ =	shalt  }
0x40: {  	_ =	shalt  }
0x41: {  	_ =	shalt  }
0x42: {  	_ =	shalt  }
0x43: {  	_ =	shalt  }
0x44: {  	_ =	shalt  }
0x45: {  	_ =	shalt  }
0x46: {  	_ =	shalt  }
0x47: {  	_ =	shalt  }
0x48: {  	_ =	shalt  }
0x49: {  	_ =	shalt  }
0x4a: {  	_ =	shalt  }
0x4b: {  	_ =	shalt  }
0x4c: {  	_ =	shalt  }
0x4d: {  	_ =	shalt  }
0x4e: {  	_ =	shalt  }
0x4f: {  	_ =	shalt  }
0x50: {  	_ =	shalt  }
0x51: {  	_ =	shalt  }
0x52: {  	_ =	shalt  }
0x53: {  	_ =	shalt  }
0x54: {  	_ =	shalt  }
0x55: {  	_ =	shalt  }
0x56: {  	_ =	shalt  }
0x57: {  	_ =	shalt  }
0x58: {  	_ =	shalt  }
0x59: {  	_ =	shalt  }
0x5a: {  	_ =	shalt  }
0x5b: {  	_ =	shalt  }
0x5c: {  	_ =	shalt  }
0x5d: {  	_ =	shalt  }
0x5e: {  	_ =	shalt  }
0x5f: {  	_ =	shalt  }
0x60: {  	_ =	shalt  }
0x61: {  	_ =	shalt  }
0x62: {  	_ =	shalt  }
0x63: {  	_ =	shalt  }
0x64: {  	_ =	shalt  }
0x65: {  	_ =	shalt  }
0x66: {  	_ =	shalt  }
0x67: {  	_ =	shalt  }
0x68: {  	_ =	shalt  }
0x69: {  	_ =	shalt  }
0x6a: {  	_ =	shalt  }
0x6b: {  	_ =	shalt  }
0x6c: {  	_ =	shalt  }
0x6d: {  	_ =	shalt  }
0x6e: {  	_ =	shalt  }
0x6f: {  	_ =	shalt  }
0x70: {  	_ =	shalt  }
0x71: {  	_ =	shalt  }
0x72: {  	_ =	shalt  }
0x73: {  	_ =	shalt  }
0x74: {  	_ =	shalt  }
0x75: {  	_ =	shalt  }
0x76: {  	_ =	shalt  }
0x77: {  	_ =	shalt  }
0x78: {  	_ =	shalt  }
0x79: {  	_ =	shalt  }
0x7a: {  	_ =	shalt  }
0x7b: {  	_ =	shalt  }
0x7c: {  	_ =	shalt  }
0x7d: {  	_ =	shalt  }
0x7e: {  	_ =	shalt  }
0x7f: {  	_ =	shalt  }
0x80: {  	_ =	shalt  }
0x81: {  	_ =	shalt  }
0x82: {  	_ =	shalt  }
0x83: {  	_ =	shalt  }
0x84: {  	_ =	shalt  }
0x85: {  	_ =	shalt  }
0x86: {  	_ =	shalt  }
0x87: {  	_ =	shalt  }
.Lfunc_end0:
.L_simem_size_0:
called_computation.1_lowered:
.L_overlay_start_0:
0x88: {  	s2 =	sld [smem:$0x3FD9]  }
0x89: {  	s3 =	sld [smem:$0x3FFE];
	_ =	sdelay $0x1  }
0x8a: {  	s1 =	srdreg.scid  }
0x8b: {  	s0 =	sand.u32 $0x1, s1  }
0x8c: {  	s17 =	sshll.u32 s0, $0xA;
	s2 =	sadd.s32 s3, s2  }
0x8d: {  	s2 =	sadd.s32 s2, s17  }
0x8e: {  	[smem:$0x3FC6] =	sst s2  }
0x8f: {  	_ = 	snop  }
0x90: {  	s2 =	sld [smem:$0x3FD0];
	(tm) =	ssettm $0x1  }
0x91: {  	s18 =	sld [smem:$0x3FFB];
	_ =	sdelay $0x3  }
0x92: {  	_ =	strace s18  }
0x93: {  	s3 =	sld [smem:$0x3FFC];
	_ =	sdelay $0x3  }
0x94: {  	_ =	strace s3  }
0x95: {  	s3 =	sld [smem:$0x3FFD];
	_ =	sdelay $0x3  }
0x96: {  	_ =	strace s3  }
0x97: {  	_ =	strace $0x8FFFFFFF  }
0x98: {  	s19 =	sld [smem:$0x3FDB];
	_ =	sdelay $0x1  }
0x99: {  	s4 =	simm.s32 $_scs_section_size  }
0x9a: {  	s5 =	simm.s32 $_size__tile_overlayer_lowered;
	s6 =	simm.s32 $_tile_overlayer_lowered  }
0x9b: {  	s22 =	simm.s32 $0x1BFF;
	s21 =	sshll.u32 s6, $0x1;
	s3 =	sadd.s32 s4, s19  }
0x9c: {  	s7 =	simm.s32 $0x0;
	s20 =	sshll.u32 s5, $0x1;
	s5 =	sadd.s32 s21, s3  }
0x9d: {  	[timem:s7], [sflag:s22] =	dma.local [hbm:s5], s20  }
0x9e: {  	_ =	swait.ge [sflag:s22], s20  }
0x9f: {  	s4 =	ssub.s32 $0x0, s20;
	[sflag:s22] =	ssyncset.done $0x0  }
0xa0: {  	[sflag:s22] =	ssyncadd.s32 s4;
	_ =	sdelay $0x1  }
0xa1: {  	s23 =	simm.s32 $0x1B8B  }
0xa2: {  	_ =	swait.ge [sflag:s23], $0x1  }
0xa3: {  	[sflag:s23] =	ssyncset.done $0x0  }
0xa4: {  	s25 =	simm.s32 $0x1B8E;
	s24 =	sld [smem:$0x3FFE];
	[sflag:s23] =	ssyncadd.s32 $0xFFFFFFFF  }
0xa5: {  	s26 =	simm.s32 $execute0_lowered;
	[smem:$0x3FD2] =	sst s25  }
0xa6: {  	s5 =	sshll.u32 s26, $0x1;
	_ =	strace $0x80000046;
	[dreg:$0x1] =	wrdreg $0xFFFFFFFF  }
0xa7: {  	s28 =	simm.s32 $_size_execute0_lowered;
	s3 =	sadd.s32 s3, s5;
	[dreg:$0x0] =	wrdreg $0x0  }
0xa8: {  	s5 =	sshll.u32 s28, $0x1;
	[dreg:$0x2] =	wrdreg s3  }
0xa9: {  	[dreg:$0x3] =	wrdreg s5  }
0xaa: {  	[dreg:$0x4] =	wrdreg $0xC0  }
0xab: {  	_ =	task [dreg:s7], $0x5FFFF  }
0xac: {  	[dreg:$0x1] =	wrdreg $0xFFFFFFFF  }
0xad: {  	[dreg:$0x0] =	wrdreg $0x60  }
0xae: {  	[dreg:$0x2] =	wrdreg s24  }
0xaf: {  	[dreg:$0x3] =	wrdreg s2  }
0xb0: {  	[dreg:$0x4] =	wrdreg $0x9  }
0xb1: {  	_ =	task.clear_ibuf [dreg:s7], $0x5FFFF;
	_ =	strace $0x90000046  }
0xb2: {  	s29 =	simm.s32 $0x9;
	_ =	strace $0x80000048  }
0xb3: {  	_ =	swait.ge [sflag:s29], $0x1  }
0xb4: {  	[sflag:s29] =	ssyncadd.s32 $0xFFFFFFFF  }
0xb5: {  	_ =	strace $0x90000048  }
0xb6: {  	_ =	sfence  }
0xb7: {  	s30 =	sld [smem:$0x0];
	_ =	sdelay $0x2  }
0xb8: {  	s31 =	sshll.u32 s1, $0xD;
	s1 =	sshrl.u32 s1, $0x2  }
0xb9: {  	s3 =	sand.u32 $0x4000, s31;
	s1 =	sadd.s32 s1, s30  }
0xba: {  	s0 =	sor.u32 s3, s0;
	s1 =	sshll.u32 s1, $0x11  }
0xbb: {  	s0 =	sor.u32 s1, s0  }
0xbc: {  	s0 =	sadd.s32 $0x8F2B, s0  }
0xbd: {  	[sflag:s0] =	ssyncadd.remote.s32 $0x1  }
0xbe: {  	_ =	sfence.sel $0xFFFF  }
0xbf: {  	[dreg:$0x0] =	wrdreg $0xFFFFFFFF;
	(pc) =	sbr.abs _section_cstart, $3  }
0xc0: {  	[dreg:$0x1] =	wrdreg $0xFFFFFFFF  }
0xc1: {  	_ =	task.clear_ibuf [dreg:s7], $0x2FFFF;
	_ =	strace $0x9FFFFFFF  }
0xc2: {  	(tm) =	ssettm $0x7FFFFFFF  }
0xc3: {  	_ =	shalt  }
tec
execute0_lowered:
.L_overlay_start_1:
0x0: {  	(tag) =	ssettag $0x1  }
0x1: {  	s1 =	srdreg.scid  }
0x2: {  	s0 =	stileid.u32;
	s6 =	rddreg [dreg:$0x0]  }
0x3: {  	s2 =	rddreg [dreg:$0x1];
	s4 =	simm.s32 $0x0;
	s9 =	simm.s32 $0x280  }
0x4: {  	s10 =	simm.s32 $0x6400;
	s5 =	sand.u32 $0x1, s1;
	s31 =	sshll.u32 s0, $0x1  }
0x5: {  	s11 =	simm.s32 $0x10400;
	s12 =	simm.s32 $0x1;
	s1 =	sor.u32 s5, s31  }
0x6: {  	s13 =	simm.s32 $0x2;
	s14 =	simm.s32 $0x3;
	s3 =	smul.u32 $0x6400, s1  }
.Ltmp0:
0x7: {  	s15 =	simm.s32 $0x4;
	[smem:$0x7FF] =	sst s4;
	(pc) =	sbr.rel .LBB2_1-.Ltmp0, $4  }
0x8: {  	s16 =	simm.s32 $0x0;
	s5 =	ssub.s32 $0x2, s5;
	s1 =	rddreg [dreg:$0x2]  }
0x9: {  	s8 =	sshrl.u32 s5, $0x1;
	_ =	strace $0x80000047;
	s7 =	sshrl.u32 s3, $0x3  }
0xa: {  	s8 =	ssub.s32 s5, s8;
	s5 =	sadd.s32 $0xF42E00, s6;
	s7 =	sadd.s32 s7, s6  }
0xb: {  	v0 =	vimm.f32 $8.000000000e+00;
	s6 =	sadd.s32 $0xA00, s7;
	s7 =	smax.u32 s8, $0x1;
	s8 =	simm.s32 $0x5  }
.LBB2_16:
0xc: {  	s16 =	sadd.s32 $0x1, s16  }
0xd: {  	p0 =	sne.s32 s16, s7  }
.Ltmp1:
0xe: {  	_ = 	snop;
	(pc) =	sbr.rel @!p0 .LBB2_17-.Ltmp1, $4  }
0xf: {  	_ = 	snop  }
0x10: {  	_ =	swait.ge [sflag:s15], $0xA000  }
0x11: {  	[sflag:s15] =	ssyncset.done $0x0  }
0x12: {  	[sflag:s15] =	ssyncadd.s32 $0xFFFF6000  }
.LBB2_1:
0x13: {  	[tilespmem:s4], [sflag:$0x5] =	stream.linear.gather [hbm4b:s6+s4], $0x6400, $0x38;
	[tilespmem:$0x1A400] =	vst v63  }
0x14: {  	_ =	swait.ge [sflag:s8], $0x6400  }
0x15: {  	[sflag:s8] =	ssyncset.done $0x0  }
0x16: {  	[sflag:s8] =	ssyncadd.s32 $0xFFFF9C00  }
0x17: {  	[tilespmem:s10], [sflag:$0x1] =	stream.indirect.gather [hbm4b:s5+s9], $0x40, s4, s9, $0xb8;
	[tilespmem:$0x1A400] =	vst v63  }
0x18: {  	s17 =	simm.s32 $0x0  }
0x19: {  	[tilespmem:s11], [sflag:$0x2] =	stream.indirect.gather [hbm4b:s5+s9], $0x40, s9, s9, $0xb8;
	[tilespmem:$0x1A400] =	vst v63  }
.LBB2_2:
0x1a: {  	s18 =	smul.u32 $0x1400, s17  }
0x1b: {  	_ =	swait.ge [sflag:s12], $0xA000;
	s19 =	simm.s32 $0x0  }
0x1c: {  	s20 =	simm.s32 $0x6480;
	[sflag:s12] =	ssyncset.done $0x0;
	s18 =	sshra.s32 s18, $0x2  }
0x1d: {  	s21 =	simm.s32 $0x68F0;
	s22 =	simm.s32 $0x0;
	[sflag:s12] =	ssyncadd.s32 $0xFFFF6000;
	v1 =	vmov s18  }
.LBB2_3:
0x1e: {  	_ =	sdelay $0x2  }
0x1f: {  	s23 =	sshll.u32 s22, $0x4  }
0x20: {  	v2 =	vld.idx.msk [tilespmem:v1+s23+$0x0 ss:$0x1], $0xffff;
	_ =	sdelay $0x3  }
0x21: {  	v3 =	vld [tilespmem:s20+$0xFFFFFF80]  }
0x22: {  	v4 =	vld [tilespmem:s20+$0xFFFFFF90];
	vm0 =	veq.s32 v2, $0x0  }
0x23: {  	v5 =	vmov s19;
	v6 =	vld [tilespmem:s20+$0xFFFFFFA0];
	v2 =	vsel vm0, $0x0, v0  }
0x24: {  	v7 =	vld [tilespmem:s20+$0xFFFFFFB0];
	v5 =	vperm.xlane v2, v5  }
0x25: {  	v8 =	vld [tilespmem:s20+$0xFFFFFFC0]  }
0x26: {  	s24 =	simm.s32 $0x1;
	v9 =	vld [tilespmem:s20+$0xFFFFFFD0];
	v3 =	vmul.f32 v3, v5  }
0x27: {  	v11 =	vld [tilespmem:s20+$0xFFFFFFE0];
	v10 =	vmov s24;
	v4 =	vmul.f32 v4, v5  }
0x28: {  	v6 =	vmul.f32 v6, v5;
	[tilespmem:s20+$0xFFFFFF80] =	vst v3;
	v3 =	vperm.xlane v2, v10;
	v10 =	vld [tilespmem:s20+$0x0]  }
0x29: {  	s30 =	simm.s32 $0x2;
	v12 =	vld [tilespmem:s20+$0x10];
	[tilespmem:s20+$0xFFFFFF90] =	vst v4;
	v4 =	vmul.f32 v7, v5  }
0x2a: {  	v13 =	vld [tilespmem:s20+$0x20];
	[tilespmem:s20+$0xFFFFFFA0] =	vst v6;
	v5 =	vmov s30;
	v6 =	vmul.f32 v8, v3  }
0x2b: {  	[tilespmem:s20+$0xFFFFFFB0] =	vst v4;
	v7 =	vmul.f32 v9, v3;
	v4 =	vperm.xlane v2, v5;
	v5 =	vld [tilespmem:s20+$0x30]  }
0x2c: {  	v8 =	vmul.f32 v11, v3;
	[tilespmem:s20+$0xFFFFFFC0] =	vst v6;
	v6 =	vld [tilespmem:s20+$0x40]  }
0x2d: {  	s31 =	simm.s32 $0x3;
	[tilespmem:s20+$0xFFFFFFD0] =	vst v7;
	v7 =	vld [tilespmem:s20+$0x50];
	v9 =	vmul.f32 v10, v4  }
0x2e: {  	s25 =	simm.s32 $0x4;
	[tilespmem:s20+$0xFFFFFFE0] =	vst v8;
	v11 =	vmul.f32 v12, v4;
	v8 =	vld [tilespmem:s20+$0x60];
	v10 =	vmov s31  }
0x2f: {  	s26 =	smov.u32 s20;
	s23 =	sadd.s32 s23, s18;
	s24 =	smov.u32 s20;
	v12 =	vmul.f32 v13, v4;
	[tilespmem:s20+$0x0] =	vst v9;
	v9 =	vperm.xlane v2, v10;
	v10 =	vld [tilespmem:s20+$0x70]  }
.LBB2_4:
0x30: {  	p0 =	slt.u32 s25, $0xC;
	v13 =	vld [tilespmem:s24+$0xFFFFFFF0];
	[tilespmem:s24+$0x10] =	vst v11;
	v4 =	vmul.f32 v5, v4;
	s26 =	sadd.s32 $0x100, s26  }
0x31: {  	v5 =	vld [tilespmem:s26+$0xFFFFFF80];
	[tilespmem:s24+$0x20] =	vst v12;
	v6 =	vmul.f32 v6, v9  }
0x32: {  	v11 =	vld [tilespmem:s26+$0xFFFFFF90];
	[tilespmem:s24+$0x30] =	vst v4;
	v4 =	vmul.f32 v7, v9  }
0x33: {  	v7 =	vmov s25;
	v12 =	vld [tilespmem:s26+$0xFFFFFFA0];
	[tilespmem:s24+$0x40] =	vst v6;
	v6 =	vmul.f32 v8, v9  }
0x34: {  	v7 =	vperm.xlane v2, v7;
	v8 =	vld [tilespmem:s26+$0xFFFFFFB0];
	[tilespmem:s24+$0x50] =	vst v4;
	v4 =	vmul.f32 v10, v9  }
0x35: {  	v9 =	vld [tilespmem:s26+$0xFFFFFFC0];
	v3 =	vmul.f32 v13, v3;
	[tilespmem:s24+$0x60] =	vst v6  }
0x36: {  	s28 =	sadd.s32 $0x1, s25;
	v5 =	vmul.f32 v5, v7;
	v6 =	vld [tilespmem:s26+$0xFFFFFFD0];
	[tilespmem:s24+$0x70] =	vst v4  }
0x37: {  	v10 =	vmov s28;
	v4 =	vmul.f32 v11, v7;
	v11 =	vld [tilespmem:s26+$0xFFFFFFE0];
	[tilespmem:s24+$0xFFFFFFF0] =	vst v3;
	s24 =	smov.u32 s26  }
0x38: {  	v3 =	vperm.xlane v2, v10;
	[tilespmem:s26+$0xFFFFFF80] =	vst v5;
	v5 =	vmul.f32 v12, v7;
	v10 =	vld [tilespmem:s26+$0x0]  }
0x39: {  	s28 =	sadd.s32 $0x2, s25;
	[tilespmem:s26+$0xFFFFFF90] =	vst v4;
	v4 =	vmul.f32 v8, v7;
	v8 =	vld [tilespmem:s26+$0x10]  }
0x3a: {  	[tilespmem:s26+$0xFFFFFFA0] =	vst v5;
	v7 =	vmul.f32 v9, v3;
	v5 =	vmov s28;
	v9 =	vld [tilespmem:s26+$0x20]  }
.Ltmp2:
0x3b: {  	[tilespmem:s26+$0xFFFFFFB0] =	vst v4;
	v12 =	vmul.f32 v6, v3;
	v4 =	vperm.xlane v2, v5;
	v5 =	vld [tilespmem:s26+$0x30];
	(pc) =	sbr.rel @p0 .LBB2_4-.Ltmp2, $4  }
0x3c: {  	[tilespmem:s26+$0xFFFFFFC0] =	vst v7;
	v11 =	vmul.f32 v11, v3;
	v6 =	vld [tilespmem:s26+$0x40]  }
0x3d: {  	s28 =	sadd.s32 $0x3, s25;
	[tilespmem:s26+$0xFFFFFFD0] =	vst v12;
	v10 =	vmul.f32 v10, v4;
	v7 =	vld [tilespmem:s26+$0x50]  }
0x3e: {  	v13 =	vmov s28;
	[tilespmem:s26+$0xFFFFFFE0] =	vst v11;
	v11 =	vmul.f32 v8, v4;
	v8 =	vld [tilespmem:s26+$0x60]  }
0x3f: {  	s25 =	sadd.s32 $0x4, s25;
	[tilespmem:s26+$0x0] =	vst v10;
	v12 =	vmul.f32 v9, v4;
	v9 =	vperm.xlane v2, v13;
	v10 =	vld [tilespmem:s26+$0x70]  }
0x40: {  	v2 =	vld [tilespmem:s24+$0xFFFFFFF0];
	[tilespmem:s24+$0x10] =	vst v11;
	v4 =	vmul.f32 v5, v4  }
0x41: {  	[tilespmem:s24+$0x20] =	vst v12;
	v5 =	vmul.f32 v6, v9  }
0x42: {  	[tilespmem:s24+$0x30] =	vst v4;
	v4 =	vmul.f32 v7, v9  }
0x43: {  	[tilespmem:s24+$0x40] =	vst v5;
	v5 =	vmul.f32 v8, v9  }
0x44: {  	[tilespmem:s24+$0x50] =	vst v4;
	v4 =	vmul.f32 v10, v9  }
0x45: {  	v2 =	vmul.f32 v2, v3;
	[tilespmem:s24+$0x60] =	vst v5  }
0x46: {  	[tilespmem:s24+$0x70] =	vst v4  }
0x47: {  	[tilespmem:s24+$0xFFFFFFF0] =	vst v2  }
0x48: {  	v2 =	vld [tilespmem:s23+$0x10];
	_ =	sdelay $0x3  }
0x49: {  	v3 =	vld [tilespmem:s21+$0xFFFFFF10]  }
0x4a: {  	s28 =	simm.s32 $0x0;
	v4 =	vld [tilespmem:s21+$0xFFFFFF20];
	vm0 =	veq.s32 v2, $0x0  }
0x4b: {  	v5 =	vmov s28;
	v6 =	vld [tilespmem:s21+$0xFFFFFF30];
	v2 =	vsel vm0, $0x0, v0  }
0x4c: {  	v7 =	vld [tilespmem:s21+$0xFFFFFF40];
	v5 =	vperm.xlane v2, v5  }
0x4d: {  	v8 =	vld [tilespmem:s21+$0xFFFFFF50]  }
0x4e: {  	s29 =	simm.s32 $0x1;
	v9 =	vld [tilespmem:s21+$0xFFFFFF60];
	v3 =	vmul.f32 v3, v5  }
0x4f: {  	v10 =	vmov s29;
	v11 =	vld [tilespmem:s21+$0xFFFFFF70];
	v4 =	vmul.f32 v4, v5  }
0x50: {  	[tilespmem:s21+$0xFFFFFF10] =	vst v3;
	v3 =	vmul.f32 v6, v5;
	v6 =	vperm.xlane v2, v10;
	v10 =	vld [tilespmem:s21+$0xFFFFFF80]  }
0x51: {  	v12 =	vld [tilespmem:s21+$0xFFFFFF90];
	[tilespmem:s21+$0xFFFFFF20] =	vst v4;
	v4 =	vmul.f32 v7, v5  }
0x52: {  	s30 =	simm.s32 $0x2;
	[tilespmem:s21+$0xFFFFFF30] =	vst v3;
	v3 =	vmul.f32 v8, v6;
	v8 =	vld [tilespmem:s21+$0xFFFFFFA0]  }
0x53: {  	v5 =	vld [tilespmem:s21+$0xFFFFFFB0];
	[tilespmem:s21+$0xFFFFFF40] =	vst v4;
	v7 =	vmul.f32 v9, v6;
	v9 =	vmov s30  }
0x54: {  	v11 =	vmul.f32 v11, v6;
	v4 =	vld [tilespmem:s21+$0xFFFFFFC0];
	[tilespmem:s21+$0xFFFFFF50] =	vst v3;
	v3 =	vperm.xlane v2, v9  }
0x55: {  	[tilespmem:s21+$0xFFFFFF60] =	vst v7;
	v9 =	vmul.f32 v10, v6;
	v6 =	vld [tilespmem:s21+$0xFFFFFFD0]  }
0x56: {  	s31 =	simm.s32 $0x3;
	[tilespmem:s21+$0xFFFFFF70] =	vst v11;
	v7 =	vld [tilespmem:s21+$0xFFFFFFE0];
	v10 =	vmul.f32 v12, v3  }
0x57: {  	s25 =	smov.u32 s21;
	s24 =	simm.s32 $0x4;
	s23 =	smov.u32 s21;
	v11 =	vmov s31;
	[tilespmem:s21+$0xFFFFFF80] =	vst v9;
	v9 =	vmul.f32 v8, v3;
	v8 =	vld [tilespmem:s21+$0x0]  }
.LBB2_6:
0x58: {  	p0 =	slt.u32 s24, $0xC;
	[tilespmem:s23+$0xFFFFFF90] =	vst v10;
	v5 =	vmul.f32 v5, v3;
	v10 =	vperm.xlane v2, v11;
	v11 =	vld [tilespmem:s23+$0xFFFFFFF0];
	s25 =	sadd.s32 $0x100, s25  }
0x59: {  	v12 =	vld [tilespmem:s25+$0xFFFFFF10];
	[tilespmem:s23+$0xFFFFFFA0] =	vst v9;
	v3 =	vmul.f32 v4, v3  }
0x5a: {  	v4 =	vld [tilespmem:s25+$0xFFFFFF20];
	[tilespmem:s23+$0xFFFFFFB0] =	vst v5;
	v5 =	vmul.f32 v6, v10  }
0x5b: {  	v6 =	vmov s24;
	v9 =	vld [tilespmem:s25+$0xFFFFFF30];
	[tilespmem:s23+$0xFFFFFFC0] =	vst v3;
	v3 =	vmul.f32 v7, v10  }
0x5c: {  	v6 =	vperm.xlane v2, v6;
	v7 =	vld [tilespmem:s25+$0xFFFFFF40];
	[tilespmem:s23+$0xFFFFFFD0] =	vst v5;
	v5 =	vmul.f32 v8, v10  }
0x5d: {  	v8 =	vld [tilespmem:s25+$0xFFFFFF50];
	[tilespmem:s23+$0xFFFFFFE0] =	vst v3;
	v3 =	vmul.f32 v11, v10  }
0x5e: {  	s26 =	sadd.s32 $0x1, s24;
	v10 =	vmul.f32 v12, v6;
	v11 =	vld [tilespmem:s25+$0xFFFFFF60];
	[tilespmem:s23+$0x0] =	vst v5  }
0x5f: {  	v5 =	vmov s26;
	v4 =	vmul.f32 v4, v6;
	v12 =	vld [tilespmem:s25+$0xFFFFFF70];
	[tilespmem:s23+$0xFFFFFFF0] =	vst v3;
	s23 =	smov.u32 s25  }
0x60: {  	[tilespmem:s25+$0xFFFFFF10] =	vst v10;
	v3 =	vmul.f32 v9, v6;
	v9 =	vperm.xlane v2, v5;
	v10 =	vld [tilespmem:s25+$0xFFFFFF80]  }
0x61: {  	[tilespmem:s25+$0xFFFFFF20] =	vst v4;
	v4 =	vmul.f32 v7, v6;
	v7 =	vld [tilespmem:s25+$0xFFFFFF90]  }
0x62: {  	s26 =	sadd.s32 $0x2, s24;
	[tilespmem:s25+$0xFFFFFF30] =	vst v3;
	v3 =	vmul.f32 v8, v9;
	v8 =	vld [tilespmem:s25+$0xFFFFFFA0]  }
.Ltmp3:
0x63: {  	[tilespmem:s25+$0xFFFFFF40] =	vst v4;
	v6 =	vmul.f32 v11, v9;
	v4 =	vmov s26;
	v5 =	vld [tilespmem:s25+$0xFFFFFFB0];
	(pc) =	sbr.rel @p0 .LBB2_6-.Ltmp3, $4  }
0x64: {  	[tilespmem:s25+$0xFFFFFF50] =	vst v3;
	v11 =	vmul.f32 v12, v9;
	v3 =	vperm.xlane v2, v4;
	v4 =	vld [tilespmem:s25+$0xFFFFFFC0]  }
0x65: {  	[tilespmem:s25+$0xFFFFFF60] =	vst v6;
	v9 =	vmul.f32 v10, v9;
	v6 =	vld [tilespmem:s25+$0xFFFFFFD0]  }
0x66: {  	s26 =	sadd.s32 $0x3, s24;
	[tilespmem:s25+$0xFFFFFF70] =	vst v11;
	v10 =	vmul.f32 v7, v3;
	v7 =	vld [tilespmem:s25+$0xFFFFFFE0]  }
0x67: {  	s24 =	sadd.s32 $0x4, s24;
	v11 =	vmov s26;
	[tilespmem:s25+$0xFFFFFF80] =	vst v9;
	v9 =	vmul.f32 v8, v3;
	v8 =	vld [tilespmem:s25+$0x0]  }
0x68: {  	[tilespmem:s23+$0xFFFFFF90] =	vst v10;
	v5 =	vmul.f32 v5, v3;
	v2 =	vperm.xlane v2, v11;
	v61 =	vld [tilespmem:s23+$0xFFFFFFF0]  }
0x69: {  	[tilespmem:s23+$0xFFFFFFA0] =	vst v9;
	v3 =	vmul.f32 v4, v3  }
0x6a: {  	p0 =	slt.u32 s22, $0x26;
	[tilespmem:s23+$0xFFFFFFB0] =	vst v5;
	v62 =	vmul.f32 v6, v2  }
.Ltmp4:
0x6b: {  	[tilespmem:s23+$0xFFFFFFC0] =	vst v3;
	v3 =	vmul.f32 v7, v2;
	(pc) =	sbr.rel @p0 .LBB2_3-.Ltmp4, $4  }
0x6c: {  	[tilespmem:s23+$0xFFFFFFD0] =	vst v62;
	v63 =	vmul.f32 v8, v2  }
0x6d: {  	[tilespmem:s23+$0xFFFFFFE0] =	vst v3;
	v2 =	vmul.f32 v61, v2  }
0x6e: {  	[tilespmem:s23+$0x0] =	vst v63  }
0x6f: {  	s22 =	sadd.s32 $0x2, s22;
	s20 =	sadd.s32 $0x800, s20;
	s21 =	sadd.s32 $0x800, s21;
	[tilespmem:s23+$0xFFFFFFF0] =	vst v2  }
0x70: {  	s19 =	smul.u32 $0x500, s17;
	_ =	sdelay $0x1  }
0x71: {  	s19 =	sadd.s32 s3, s19  }
0x72: {  	s19 =	sshll.u32 s19, $0x3  }
0x73: {  	s20 =	sadd.s32 s2, s19;
	s19 =	simm.s32 $0x0  }
0x74: {  	[hbm4b:s20+s19] =	stream.linear.scatter [tilespmem:s10], [sflag:$0x3], $0xA000, $0x38;
	[tilespmem:$0x1A400] =	vst v63  }
0x75: {  	s20 =	sshllo.u32 s17, $0x1  }
0x76: {  	s21 =	smul.u32 $0xA00, s20  }
0x77: {  	_ =	swait.ge [sflag:s13], $0xA000  }
0x78: {  	s22 =	simm.s32 $0x104F0;
	[sflag:s13] =	ssyncset.done $0x0;
	s21 =	sshra.s32 s21, $0x2  }
0x79: {  	s23 =	simm.s32 $0x108F0;
	s24 =	simm.s32 $0x0;
	[sflag:s13] =	ssyncadd.s32 $0xFFFF6000;
	v1 =	vmov s21  }
.LBB2_9:
0x7a: {  	_ =	sdelay $0x2  }
0x7b: {  	s25 =	sshll.u32 s24, $0x4  }
0x7c: {  	v2 =	vld.idx.msk [tilespmem:v1+s25+$0x0 ss:$0x1], $0xffff;
	_ =	sdelay $0x3  }
0x7d: {  	v3 =	vld [tilespmem:s22+$0xFFFFFF10]  }
0x7e: {  	v4 =	vld [tilespmem:s22+$0xFFFFFF20];
	vm0 =	veq.s32 v2, $0x0  }
0x7f: {  	v5 =	vmov s19;
	v6 =	vld [tilespmem:s22+$0xFFFFFF30];
	v2 =	vsel vm0, $0x0, v0  }
0x80: {  	v7 =	vld [tilespmem:s22+$0xFFFFFF40];
	v5 =	vperm.xlane v2, v5  }
0x81: {  	v8 =	vld [tilespmem:s22+$0xFFFFFF50]  }
0x82: {  	s26 =	simm.s32 $0x1;
	v9 =	vld [tilespmem:s22+$0xFFFFFF60];
	v3 =	vmul.f32 v3, v5  }
0x83: {  	v11 =	vld [tilespmem:s22+$0xFFFFFF70];
	v10 =	vmov s26;
	v4 =	vmul.f32 v4, v5  }
0x84: {  	[tilespmem:s22+$0xFFFFFF10] =	vst v3;
	v3 =	vmul.f32 v6, v5;
	v6 =	vperm.xlane v2, v10;
	v10 =	vld [tilespmem:s22+$0xFFFFFF80]  }
0x85: {  	v12 =	vld [tilespmem:s22+$0xFFFFFF90];
	[tilespmem:s22+$0xFFFFFF20] =	vst v4;
	v4 =	vmul.f32 v7, v5  }
0x86: {  	s30 =	simm.s32 $0x2;
	[tilespmem:s22+$0xFFFFFF30] =	vst v3;
	v3 =	vmul.f32 v8, v6;
	v8 =	vld [tilespmem:s22+$0xFFFFFFA0]  }
0x87: {  	v5 =	vld [tilespmem:s22+$0xFFFFFFB0];
	[tilespmem:s22+$0xFFFFFF40] =	vst v4;
	v7 =	vmul.f32 v9, v6;
	v9 =	vmov s30  }
0x88: {  	v11 =	vmul.f32 v11, v6;
	v4 =	vld [tilespmem:s22+$0xFFFFFFC0];
	[tilespmem:s22+$0xFFFFFF50] =	vst v3;
	v3 =	vperm.xlane v2, v9  }
0x89: {  	[tilespmem:s22+$0xFFFFFF60] =	vst v7;
	v9 =	vmul.f32 v10, v6;
	v6 =	vld [tilespmem:s22+$0xFFFFFFD0]  }
0x8a: {  	s31 =	simm.s32 $0x3;
	s28 =	simm.s32 $0x4;
	[tilespmem:s22+$0xFFFFFF70] =	vst v11;
	v7 =	vld [tilespmem:s22+$0xFFFFFFE0];
	v10 =	vmul.f32 v12, v3  }
0x8b: {  	s29 =	smov.u32 s22;
	s25 =	sadd.s32 s25, s21;
	s26 =	smov.u32 s22;
	v11 =	vmov s31;
	[tilespmem:s22+$0xFFFFFF80] =	vst v9;
	v9 =	vmul.f32 v8, v3;
	v8 =	vld [tilespmem:s22+$0x0]  }
.LBB2_10:
0x8c: {  	p0 =	slt.u32 s28, $0xC;
	[tilespmem:s26+$0xFFFFFF90] =	vst v10;
	v5 =	vmul.f32 v5, v3;
	v10 =	vperm.xlane v2, v11;
	v11 =	vld [tilespmem:s26+$0xFFFFFFF0];
	s29 =	sadd.s32 $0x100, s29  }
0x8d: {  	v12 =	vld [tilespmem:s29+$0xFFFFFF10];
	[tilespmem:s26+$0xFFFFFFA0] =	vst v9;
	v3 =	vmul.f32 v4, v3  }
0x8e: {  	v4 =	vld [tilespmem:s29+$0xFFFFFF20];
	[tilespmem:s26+$0xFFFFFFB0] =	vst v5;
	v5 =	vmul.f32 v6, v10  }
0x8f: {  	v6 =	vmov s28;
	v9 =	vld [tilespmem:s29+$0xFFFFFF30];
	[tilespmem:s26+$0xFFFFFFC0] =	vst v3;
	v3 =	vmul.f32 v7, v10  }
0x90: {  	v6 =	vperm.xlane v2, v6;
	v7 =	vld [tilespmem:s29+$0xFFFFFF40];
	[tilespmem:s26+$0xFFFFFFD0] =	vst v5;
	v5 =	vmul.f32 v8, v10  }
0x91: {  	v8 =	vld [tilespmem:s29+$0xFFFFFF50];
	[tilespmem:s26+$0xFFFFFFE0] =	vst v3;
	v3 =	vmul.f32 v11, v10  }
0x92: {  	s30 =	sadd.s32 $0x1, s28;
	v10 =	vmul.f32 v12, v6;
	v11 =	vld [tilespmem:s29+$0xFFFFFF60];
	[tilespmem:s26+$0x0] =	vst v5  }
0x93: {  	v5 =	vmov s30;
	v4 =	vmul.f32 v4, v6;
	v12 =	vld [tilespmem:s29+$0xFFFFFF70];
	[tilespmem:s26+$0xFFFFFFF0] =	vst v3;
	s26 =	smov.u32 s29  }
0x94: {  	[tilespmem:s29+$0xFFFFFF10] =	vst v10;
	v3 =	vmul.f32 v9, v6;
	v9 =	vperm.xlane v2, v5;
	v10 =	vld [tilespmem:s29+$0xFFFFFF80]  }
0x95: {  	[tilespmem:s29+$0xFFFFFF20] =	vst v4;
	v4 =	vmul.f32 v7, v6;
	v7 =	vld [tilespmem:s29+$0xFFFFFF90]  }
0x96: {  	s30 =	sadd.s32 $0x2, s28;
	[tilespmem:s29+$0xFFFFFF30] =	vst v3;
	v3 =	vmul.f32 v8, v9;
	v8 =	vld [tilespmem:s29+$0xFFFFFFA0]  }
.Ltmp5:
0x97: {  	[tilespmem:s29+$0xFFFFFF40] =	vst v4;
	v6 =	vmul.f32 v11, v9;
	v4 =	vmov s30;
	v5 =	vld [tilespmem:s29+$0xFFFFFFB0];
	(pc) =	sbr.rel @p0 .LBB2_10-.Ltmp5, $4  }
0x98: {  	[tilespmem:s29+$0xFFFFFF50] =	vst v3;
	v11 =	vmul.f32 v12, v9;
	v3 =	vperm.xlane v2, v4;
	v4 =	vld [tilespmem:s29+$0xFFFFFFC0]  }
0x99: {  	[tilespmem:s29+$0xFFFFFF60] =	vst v6;
	v9 =	vmul.f32 v10, v9;
	v6 =	vld [tilespmem:s29+$0xFFFFFFD0]  }
0x9a: {  	s30 =	sadd.s32 $0x3, s28;
	[tilespmem:s29+$0xFFFFFF70] =	vst v11;
	v10 =	vmul.f32 v7, v3;
	v7 =	vld [tilespmem:s29+$0xFFFFFFE0]  }
0x9b: {  	s28 =	sadd.s32 $0x4, s28;
	v11 =	vmov s30;
	[tilespmem:s29+$0xFFFFFF80] =	vst v9;
	v9 =	vmul.f32 v8, v3;
	v8 =	vld [tilespmem:s29+$0x0]  }
0x9c: {  	[tilespmem:s26+$0xFFFFFF90] =	vst v10;
	v5 =	vmul.f32 v5, v3;
	v2 =	vperm.xlane v2, v11;
	v10 =	vld [tilespmem:s26+$0xFFFFFFF0]  }
0x9d: {  	[tilespmem:s26+$0xFFFFFFA0] =	vst v9;
	v3 =	vmul.f32 v4, v3  }
0x9e: {  	[tilespmem:s26+$0xFFFFFFB0] =	vst v5;
	v4 =	vmul.f32 v6, v2  }
0x9f: {  	[tilespmem:s26+$0xFFFFFFC0] =	vst v3;
	v3 =	vmul.f32 v7, v2  }
0xa0: {  	[tilespmem:s26+$0xFFFFFFD0] =	vst v4;
	v4 =	vmul.f32 v8, v2  }
0xa1: {  	[tilespmem:s26+$0xFFFFFFE0] =	vst v3;
	v2 =	vmul.f32 v10, v2  }
0xa2: {  	[tilespmem:s26+$0x0] =	vst v4  }
0xa3: {  	[tilespmem:s26+$0xFFFFFFF0] =	vst v2  }
0xa4: {  	v2 =	vld [tilespmem:s25+$0x10];
	_ =	sdelay $0x3  }
0xa5: {  	v3 =	vld [tilespmem:s23+$0xFFFFFF10]  }
0xa6: {  	s26 =	simm.s32 $0x0;
	v4 =	vld [tilespmem:s23+$0xFFFFFF20];
	vm0 =	veq.s32 v2, $0x0  }
0xa7: {  	v5 =	vmov s26;
	v6 =	vld [tilespmem:s23+$0xFFFFFF30];
	v2 =	vsel vm0, $0x0, v0  }
0xa8: {  	v7 =	vld [tilespmem:s23+$0xFFFFFF40];
	v5 =	vperm.xlane v2, v5  }
0xa9: {  	v8 =	vld [tilespmem:s23+$0xFFFFFF50]  }
0xaa: {  	s29 =	simm.s32 $0x1;
	v9 =	vld [tilespmem:s23+$0xFFFFFF60];
	v3 =	vmul.f32 v3, v5  }
0xab: {  	v10 =	vmov s29;
	v11 =	vld [tilespmem:s23+$0xFFFFFF70];
	v4 =	vmul.f32 v4, v5  }
0xac: {  	[tilespmem:s23+$0xFFFFFF10] =	vst v3;
	v3 =	vmul.f32 v6, v5;
	v6 =	vperm.xlane v2, v10;
	v10 =	vld [tilespmem:s23+$0xFFFFFF80]  }
0xad: {  	v12 =	vld [tilespmem:s23+$0xFFFFFF90];
	[tilespmem:s23+$0xFFFFFF20] =	vst v4;
	v4 =	vmul.f32 v7, v5  }
0xae: {  	s30 =	simm.s32 $0x2;
	[tilespmem:s23+$0xFFFFFF30] =	vst v3;
	v3 =	vmul.f32 v8, v6;
	v8 =	vld [tilespmem:s23+$0xFFFFFFA0]  }
0xaf: {  	v5 =	vld [tilespmem:s23+$0xFFFFFFB0];
	[tilespmem:s23+$0xFFFFFF40] =	vst v4;
	v7 =	vmul.f32 v9, v6;
	v9 =	vmov s30  }
0xb0: {  	v11 =	vmul.f32 v11, v6;
	v4 =	vld [tilespmem:s23+$0xFFFFFFC0];
	[tilespmem:s23+$0xFFFFFF50] =	vst v3;
	v3 =	vperm.xlane v2, v9  }
0xb1: {  	[tilespmem:s23+$0xFFFFFF60] =	vst v7;
	v9 =	vmul.f32 v10, v6;
	v6 =	vld [tilespmem:s23+$0xFFFFFFD0]  }
0xb2: {  	s31 =	simm.s32 $0x3;
	[tilespmem:s23+$0xFFFFFF70] =	vst v11;
	v7 =	vld [tilespmem:s23+$0xFFFFFFE0];
	v10 =	vmul.f32 v12, v3  }
0xb3: {  	s28 =	smov.u32 s23;
	s26 =	simm.s32 $0x4;
	s25 =	smov.u32 s23;
	v11 =	vmov s31;
	[tilespmem:s23+$0xFFFFFF80] =	vst v9;
	v9 =	vmul.f32 v8, v3;
	v8 =	vld [tilespmem:s23+$0x0]  }
.LBB2_12:
0xb4: {  	p0 =	slt.u32 s26, $0xC;
	[tilespmem:s25+$0xFFFFFF90] =	vst v10;
	v5 =	vmul.f32 v5, v3;
	v10 =	vperm.xlane v2, v11;
	v11 =	vld [tilespmem:s25+$0xFFFFFFF0];
	s28 =	sadd.s32 $0x100, s28  }
0xb5: {  	v12 =	vld [tilespmem:s28+$0xFFFFFF10];
	[tilespmem:s25+$0xFFFFFFA0] =	vst v9;
	v3 =	vmul.f32 v4, v3  }
0xb6: {  	v4 =	vld [tilespmem:s28+$0xFFFFFF20];
	[tilespmem:s25+$0xFFFFFFB0] =	vst v5;
	v5 =	vmul.f32 v6, v10  }
0xb7: {  	v6 =	vmov s26;
	v9 =	vld [tilespmem:s28+$0xFFFFFF30];
	[tilespmem:s25+$0xFFFFFFC0] =	vst v3;
	v3 =	vmul.f32 v7, v10  }
0xb8: {  	v6 =	vperm.xlane v2, v6;
	v7 =	vld [tilespmem:s28+$0xFFFFFF40];
	[tilespmem:s25+$0xFFFFFFD0] =	vst v5;
	v5 =	vmul.f32 v8, v10  }
0xb9: {  	v8 =	vld [tilespmem:s28+$0xFFFFFF50];
	[tilespmem:s25+$0xFFFFFFE0] =	vst v3;
	v3 =	vmul.f32 v11, v10  }
0xba: {  	s29 =	sadd.s32 $0x1, s26;
	v10 =	vmul.f32 v12, v6;
	v11 =	vld [tilespmem:s28+$0xFFFFFF60];
	[tilespmem:s25+$0x0] =	vst v5  }
0xbb: {  	v5 =	vmov s29;
	v4 =	vmul.f32 v4, v6;
	v12 =	vld [tilespmem:s28+$0xFFFFFF70];
	[tilespmem:s25+$0xFFFFFFF0] =	vst v3;
	s25 =	smov.u32 s28  }
0xbc: {  	[tilespmem:s28+$0xFFFFFF10] =	vst v10;
	v3 =	vmul.f32 v9, v6;
	v9 =	vperm.xlane v2, v5;
	v10 =	vld [tilespmem:s28+$0xFFFFFF80]  }
0xbd: {  	[tilespmem:s28+$0xFFFFFF20] =	vst v4;
	v4 =	vmul.f32 v7, v6;
	v7 =	vld [tilespmem:s28+$0xFFFFFF90]  }
0xbe: {  	s29 =	sadd.s32 $0x2, s26;
	[tilespmem:s28+$0xFFFFFF30] =	vst v3;
	v3 =	vmul.f32 v8, v9;
	v8 =	vld [tilespmem:s28+$0xFFFFFFA0]  }
.Ltmp6:
0xbf: {  	[tilespmem:s28+$0xFFFFFF40] =	vst v4;
	v6 =	vmul.f32 v11, v9;
	v4 =	vmov s29;
	v5 =	vld [tilespmem:s28+$0xFFFFFFB0];
	(pc) =	sbr.rel @p0 .LBB2_12-.Ltmp6, $4  }
0xc0: {  	[tilespmem:s28+$0xFFFFFF50] =	vst v3;
	v11 =	vmul.f32 v12, v9;
	v3 =	vperm.xlane v2, v4;
	v4 =	vld [tilespmem:s28+$0xFFFFFFC0]  }
0xc1: {  	[tilespmem:s28+$0xFFFFFF60] =	vst v6;
	v9 =	vmul.f32 v10, v9;
	v6 =	vld [tilespmem:s28+$0xFFFFFFD0]  }
0xc2: {  	s29 =	sadd.s32 $0x3, s26;
	[tilespmem:s28+$0xFFFFFF70] =	vst v11;
	v10 =	vmul.f32 v7, v3;
	v7 =	vld [tilespmem:s28+$0xFFFFFFE0]  }
0xc3: {  	s26 =	sadd.s32 $0x4, s26;
	v11 =	vmov s29;
	[tilespmem:s28+$0xFFFFFF80] =	vst v9;
	v9 =	vmul.f32 v8, v3;
	v8 =	vld [tilespmem:s28+$0x0]  }
0xc4: {  	[tilespmem:s25+$0xFFFFFF90] =	vst v10;
	v5 =	vmul.f32 v5, v3;
	v2 =	vperm.xlane v2, v11;
	v61 =	vld [tilespmem:s25+$0xFFFFFFF0]  }
0xc5: {  	[tilespmem:s25+$0xFFFFFFA0] =	vst v9;
	v3 =	vmul.f32 v4, v3  }
0xc6: {  	p0 =	slt.u32 s24, $0x26;
	[tilespmem:s25+$0xFFFFFFB0] =	vst v5;
	v62 =	vmul.f32 v6, v2  }
.Ltmp7:
0xc7: {  	[tilespmem:s25+$0xFFFFFFC0] =	vst v3;
	v3 =	vmul.f32 v7, v2;
	(pc) =	sbr.rel @p0 .LBB2_9-.Ltmp7, $4  }
0xc8: {  	[tilespmem:s25+$0xFFFFFFD0] =	vst v62;
	v63 =	vmul.f32 v8, v2  }
0xc9: {  	[tilespmem:s25+$0xFFFFFFE0] =	vst v3;
	v2 =	vmul.f32 v61, v2  }
0xca: {  	[tilespmem:s25+$0x0] =	vst v63  }
0xcb: {  	s24 =	sadd.s32 $0x2, s24;
	s22 =	sadd.s32 $0x800, s22;
	s23 =	sadd.s32 $0x800, s23;
	[tilespmem:s25+$0xFFFFFFF0] =	vst v2  }
0xcc: {  	s19 =	smul.u32 $0x280, s20;
	_ =	sdelay $0x1  }
0xcd: {  	s19 =	sadd.s32 s3, s19  }
0xce: {  	s19 =	sshll.u32 s19, $0x3  }
0xcf: {  	p0 =	seq.s32 s17, $0x13;
	s19 =	sand.u32 $0x1FFFFC00, s19  }
.Ltmp8:
0xd0: {  	s19 =	sadd.s32 s2, s19;
	(pc) =	sbr.rel @p0 .LBB2_16-.Ltmp8, $4  }
0xd1: {  	[hbm4b:s19+s4] =	stream.linear.scatter [tilespmem:s11], [sflag:$0x4], $0xA000, $0x38;
	[tilespmem:$0x1A400] =	vst v63  }
0xd2: {  	_ =	swait.ge [sflag:s14], $0xA000  }
0xd3: {  	[sflag:s14] =	ssyncset.done $0x0  }
0xd4: {  	[sflag:s14] =	ssyncadd.s32 $0xFFFF6000  }
0xd5: {  	s19 =	sadd.s32 $0x500, s18  }
0xd6: {  	[tilespmem:s10], [sflag:$0x1] =	stream.indirect.gather [hbm4b:s5+s9], $0x40, s19, s9, $0xb8;
	[tilespmem:$0x1A400] =	vst v63  }
.Ltmp9:
0xd7: {  	_ = 	snop;
	(pc) =	sbr.rel .LBB2_2-.Ltmp9, $4  }
0xd8: {  	_ =	swait.ge [sflag:s15], $0xA000  }
0xd9: {  	[sflag:s15] =	ssyncset.done $0x0  }
0xda: {  	s31 =	sadd.s32 $0x780, s18;
	s17 =	sadd.s32 $0x1, s17;
	[sflag:s15] =	ssyncadd.s32 $0xFFFF6000  }
0xdb: {  	[tilespmem:s11], [sflag:$0x2] =	stream.indirect.gather [hbm4b:s5+s9], $0x40, s31, s9, $0xb8;
	[tilespmem:$0x1A400] =	vst v63  }
.LBB2_17:
0xdc: {  	_ =	sfence.sel $0x180000  }
0xdd: {  	[bflag:$0x0] =	sbarrier.arrive $0xFFFF  }
0xde: {  	p0 =	sne.s32 s0, $0x0;
	_ =	strace $0x90000047  }
0xdf: {  	s0 =	sadd.s32 @!p0 $0x100000, s1;
	[bflag:$0x2] =	sbarrier.arrive $0xFFFF  }
0xe0: {  	[sflag:s0] =	ssyncadd.tile.s32 @!p0 $0x1;
	_ =	shalt  }
.Lfunc_end2:
_tile_overlayer_lowered:
.L_overlay_start_2:
0xe1: {  	(tag) =	ssettag $0x2  }
0xe2: {  	s0 =	rddreg [dreg:$0x0];
	s2 =	stileid.u32  }
0xe3: {  	s1 =	rddreg [dreg:$0x1];
	p0 =	sne.s32 s2, $0x0  }
0xe4: {  	s3 =	rddreg [dreg:$0x2];
	[bflag:$0x3] =	sbarrier.arrive $0xFFFF;
	s2 =	simm.s32 @!p0 $0x1C05  }
0xe5: {  	[timem:s3], [sflag:s2] =	dma.local @!p0 [hbm:s0], s1  }
0xe6: {  	s0 =	simm.s32 @!p0 $0x5  }
0xe7: {  	_ =	swait.ge @!p0 [sflag:s0], s1  }
0xe8: {  	s1 =	ssub.s32 @!p0 $0x0, s1;
	[sflag:s0] =	ssyncset.done @!p0 $0x0  }
0xe9: {  	[sflag:s0] =	ssyncadd.s32 @!p0 s1  }
0xea: {  	[bflag:$0x3] =	sbarrier.arrive $0xFFFF  }
0xeb: {  	_ =	shalt  }

// kernel: sparse-core-data-format-call.cloned.1.call-start
scs
called_computation_lowered:
.L_overlay_start_0:
0x0: {  	s2 =	sld [smem:$0x3FD9]  }
0x1: {  	s3 =	sld [smem:$0x3FFE];
	_ =	sdelay $0x1  }
0x2: {  	s1 =	srdreg.scid  }
0x3: {  	s0 =	sand.u32 $0x1, s1  }
0x4: {  	s18 =	sshll.u32 s0, $0xA;
	s2 =	sadd.s32 s3, s2  }
0x5: {  	s2 =	sadd.s32 s2, s18  }
0x6: {  	[smem:$0x3FC6] =	sst s2  }
0x7: {  	_ = 	snop  }
0x8: {  	s2 =	sld [smem:$0x3FD0];
	(tm) =	ssettm $0x1  }
0x9: {  	s19 =	sld [smem:$0x3FFB];
	_ =	sdelay $0x3  }
0xa: {  	_ =	strace s19  }
0xb: {  	s3 =	sld [smem:$0x3FFC];
	_ =	sdelay $0x3  }
0xc: {  	_ =	strace s3  }
0xd: {  	s3 =	sld [smem:$0x3FFD];
	_ =	sdelay $0x3  }
0xe: {  	_ =	strace s3  }
0xf: {  	_ =	strace $0x8FFFFFFF  }
0x10: {  	s20 =	sld [smem:$0x3FDB];
	_ =	sdelay $0x1  }
0x11: {  	s4 =	simm.s32 $_scs_section_size  }
0x12: {  	s5 =	simm.s32 $_size__tile_overlayer_lowered;
	s6 =	simm.s32 $_tile_overlayer_lowered  }
0x13: {  	s23 =	simm.s32 $0x1BFF;
	s22 =	sshll.u32 s6, $0x1;
	s3 =	sadd.s32 s4, s20  }
0x14: {  	s7 =	simm.s32 $0x0;
	s21 =	sshll.u32 s5, $0x1;
	s5 =	sadd.s32 s22, s3  }
0x15: {  	[timem:s7], [sflag:s23] =	dma.local [hbm:s5], s21  }
0x16: {  	_ =	swait.ge [sflag:s23], s21  }
0x17: {  	s4 =	ssub.s32 $0x0, s21;
	[sflag:s23] =	ssyncset.done $0x0  }
0x18: {  	[sflag:s23] =	ssyncadd.s32 s4;
	_ =	sdelay $0x1  }
0x19: {  	s24 =	simm.s32 $0x1B8B  }
0x1a: {  	_ =	swait.ge [sflag:s24], $0x1  }
0x1b: {  	[sflag:s24] =	ssyncset.done $0x0  }
0x1c: {  	s26 =	simm.s32 $0x1B8E;
	s25 =	sld [smem:$0x3FFE];
	[sflag:s24] =	ssyncadd.s32 $0xFFFFFFFF  }
0x1d: {  	s27 =	simm.s32 $execute0_lowered;
	[smem:$0x3FD2] =	sst s26  }
0x1e: {  	s5 =	sshll.u32 s27, $0x1;
	_ =	strace $0x80000049;
	[dreg:$0x1] =	wrdreg $0xFFFFFFFF  }
0x1f: {  	s28 =	simm.s32 $_size_execute0_lowered;
	s3 =	sadd.s32 s3, s5;
	[dreg:$0x0] =	wrdreg $0x0  }
0x20: {  	s5 =	sshll.u32 s28, $0x1;
	[dreg:$0x2] =	wrdreg s3  }
0x21: {  	[dreg:$0x3] =	wrdreg s5  }
0x22: {  	[dreg:$0x4] =	wrdreg $0xC0  }
0x23: {  	_ =	task [dreg:s7], $0x5FFFF  }
0x24: {  	[dreg:$0x1] =	wrdreg $0xFFFFFFFF  }
0x25: {  	[dreg:$0x0] =	wrdreg $0x60  }
0x26: {  	[dreg:$0x2] =	wrdreg s25  }
0x27: {  	[dreg:$0x3] =	wrdreg s2  }
0x28: {  	[dreg:$0x4] =	wrdreg $0x9  }
0x29: {  	_ =	task.clear_ibuf [dreg:s7], $0x5FFFF;
	_ =	strace $0x90000049  }
0x2a: {  	s29 =	simm.s32 $0x9;
	_ =	strace $0x8000004B  }
0x2b: {  	_ =	swait.ge [sflag:s29], $0x1  }
0x2c: {  	[sflag:s29] =	ssyncadd.s32 $0xFFFFFFFF  }
0x2d: {  	_ =	strace $0x9000004B  }
0x2e: {  	_ =	sfence  }
0x2f: {  	s30 =	sld [smem:$0x0];
	_ =	sdelay $0x2  }
0x30: {  	s31 =	sshll.u32 s1, $0xD;
	s1 =	sshrl.u32 s1, $0x2  }
0x31: {  	s3 =	sand.u32 $0x4000, s31;
	s1 =	sadd.s32 s1, s30  }
0x32: {  	s0 =	sor.u32 s3, s0;
	s1 =	sshll.u32 s1, $0x11  }
0x33: {  	s0 =	sor.u32 s1, s0  }
0x34: {  	s0 =	sadd.s32 $0x8F2B, s0  }
0x35: {  	[sflag:s0] =	ssyncadd.remote.s32 $0x1  }
0x36: {  	_ =	sfence.sel $0xFFFF  }
0x37: {  	[dreg:$0x0] =	wrdreg $0xFFFFFFFF;
	(pc) =	sbr.abs _section_cstart, $3  }
0x38: {  	[dreg:$0x1] =	wrdreg $0xFFFFFFFF  }
0x39: {  	_ =	task.clear_ibuf [dreg:s7], $0x2FFFF;
	_ =	strace $0x9FFFFFFF  }
0x3a: {  	(tm) =	ssettm $0x7FFFFFFF  }
0x3b: {  	_ =	shalt  }
tec
execute0_lowered:
.L_overlay_start_1:
0x0: {  	(tag) =	ssettag $0x1  }
0x1: {  	s0 =	srdreg.scid  }
0x2: {  	s1 =	sshll.u32 s0, $0x4  }
0x3: {  	s4 =	rddreg [dreg:$0x0];
	s0 =	stileid.u32;
	s1 =	sand.u32 $0x10, s1  }
0x4: {  	s2 =	rddreg [dreg:$0x1];
	s7 =	simm.s32 $0x1;
	s1 =	sor.u32 s0, s1  }
0x5: {  	s8 =	simm.s32 $0x2;
	s11 =	simm.s32 $0x0;
	s3 =	sshll.u32 s1, $0x7  }
0x6: {  	s10 =	simm.s32 $0x0;
	s4 =	sadd.s32 $0xA00, s4;
	s6 =	ssub.s32 $0xC8000, s3  }
.Ltmp0:
0x7: {  	s1 =	rddreg [dreg:$0x2];
	s5 =	sand.u32 $0xF80, s6;
	(pc) =	sbr.rel .LBB1_1-.Ltmp0, $4  }
0x8: {  	_ =	strace $0x8000004A;
	s9 =	smov.u32 s3;
	p0 =	sne.s32 s5, $0x0  }
0x9: {  	s6 =	sshrl.u32 s6, $0xC;
	s5 =	simm.s32 $0x1;
	s7 =	simm.s32 @!p0 $0x0  }
0xa: {  	[sflag:s5] =	ssyncpa.u1 $0x0;
	p0 =	por $0x0, $0x0;
	s6 =	sadd.s32 s7, s6  }
0xb: {  	[sflag:s8] =	ssyncpa.u1 $0x0;
	s8 =	simm.s32 $0x640000;
	s7 =	sadd.s32 $0x1, s6  }
.LBB1_4:
0xc: {  	s14 =	sshll.u32 s11, $0x3  }
0xd: {  	s30 =	sand.u32 $0x7F, s11;
	s15 =	sand.u32 $0xFFFFFC00, s14  }
0xe: {  	s11 =	sor.u32 s30, s15  }
0xf: {  	s15 =	smulhi.u32 $0x51EB851F, s11  }
0x10: {  	s14 =	smulhi.u32 $0x51EB851F, s14  }
0x11: {  	s15 =	sshrl.u32 s15, $0x12  }
0x12: {  	s14 =	sshrl.u32 s14, $0x12;
	s15 =	smul.u32 $0xC8000, s15  }
0x13: {  	s14 =	sand.u32 $0x3F, s14  }
0x14: {  	s14 =	smul.u32 $0x19000, s14;
	s11 =	ssub.s32 s11, s15  }
0x15: {  	[tilespmem:s13+$0x810 ss:$0x81] =	vst.msk $0xffff, v2;
	s15 =	sand.u32 $0x7, s11  }
0x16: {  	[tilespmem:s13+$0x1020 ss:$0x81] =	vst.msk $0xffff, v0;
	s14 =	sadd.s32 s2, s14;
	s11 =	sshrl.u32 s11, $0x3;
	s15 =	sshll.u32 s15, $0x12  }
0x17: {  	[tilespmem:s13+$0x0 ss:$0x81] =	vst.msk $0xffff, v1;
	s11 =	sadd.s32 s11, s14;
	s31 =	sor.u32 $0x400, s15  }
0x18: {  	[hbm4b:s11+s31] =	stream.strided.scatter [tilespmem:s12], [sflag:$0x2], $0x2000, s8, s31, $0x20;
	[tilespmem:$0x8080] =	vst v63  }
.LBB1_5:
0x19: {  	s13 =	sadd.s32 $0x1000, s9  }
0x1a: {  	p2 =	sgt.s32 s13, $0xC7FFF  }
0x1b: {  	s13 =	smov.u32 @p2 s3;
	p2 =	sne.s32 s10, s7  }
.Ltmp1:
0x1c: {  	p1 =	slt.u32 s10, $0x2;
	(pc) =	sbr.rel @!p2 .LBB1_6-.Ltmp1, $4  }
0x1d: {  	s12 =	simm.s32 @!p1 $0x2  }
0x1e: {  	s14 =	sadd.s32 $0x1, s10;
	_ =	swait.ge @!p1 [sflag:s12], $0x2000  }
0x1f: {  	s11 =	smov.u32 s9;
	p0 =	por !p0, !p0;
	[sflag:s12] =	ssyncset.done @!p1 $0x0  }
0x20: {  	s10 =	smov.u32 s14;
	s9 =	smov.u32 s13;
	[sflag:s12] =	ssyncadd.s32 @!p1 $0xFFFFE000  }
.LBB1_1:
0x21: {  	p1 =	sge.u32 s10, s6  }
0x22: {  	s12 =	sand.u32 @!p1 $0x1FFFFFF, s9  }
0x23: {  	s13 =	smulhi.u32 @!p1 $0x147AE15, s12;
	_ =	sdelay $0x1  }
0x24: {  	s13 =	sshrl.u32 @!p1 s13, $0xC  }
0x25: {  	s13 =	smul.u32 @!p1 $0xC8000, s13;
	_ =	sdelay $0x1  }
0x26: {  	s31 =	sadd.s32 $0xFFFFFFFF, s10;
	s14 =	sxor.u32 @!p1 $0xFFFFFFFF, s10;
	s12 =	ssub.s32 @!p1 s12, s13  }
0x27: {  	s15 =	simm.s32 @!p1 $0x80;
	s14 =	sshll.u32 @!p1 s14, $0xD;
	s12 =	sshll.u32 @!p1 s12, $0x4  }
0x28: {  	s13 =	sand.u32 @!p1 $0x2000, s14;
	s14 =	simm.s32 @!p1 $0x40;
	s12 =	sadd.s32 @!p1 s4, s12  }
0x29: {  	[tilespmem:s13], [sflag:$0x1] =	stream.strided.gather @!p1 [hbm4b:s12+s14], $0x2000, s15, s14, $0x38;
	[tilespmem:$0x8080] =	vst v63  }
0x2a: {  	p1 =	sge.u32 s31, s6  }
.Ltmp2:
0x2b: {  	_ = 	snop;
	(pc) =	sbr.rel @p1 .LBB1_5-.Ltmp2, $1  }
0x2c: {  	_ =	sdelay $0x3  }
0x2d: {  	s12 =	simm.s32 $0x1  }
0x2e: {  	_ =	swait.ge [sflag:s5], $0x2000;
	s12 =	simm.s32 @!p0 $0x0  }
0x2f: {  	[sflag:s5] =	ssyncset.done $0x0;
	s13 =	sshll.u32 s12, $0xD  }
0x30: {  	[sflag:s5] =	ssyncadd.s32 $0xFFFFE000;
	s16 =	sor.u32 $0x20, s13  }
0x31: {  	s12 =	smul.u32 $0x8100, s12;
	v3 =	vld [tilespmem:s16+$0x10]  }
0x32: {  	s30 =	sand.u32 $0x1, s10;
	v2 =	vld [tilespmem:s16+$0xFFFFFFF0]  }
0x33: {  	s13 =	smul.u32 $0x8100, s30;
	s12 =	sshrl.u32 s12, $0x2;
	v0 =	vld [tilespmem:s16+$0x0]  }
0x34: {  	v1 =	vld [tilespmem:s16+$0xFFFFFFE0];
	s14 =	sor.u32 $0x4000, s12  }
0x35: {  	s31 =	sshrl.u32 s13, $0x2;
	s13 =	sadd.s32 $0x0, s14  }
0x36: {  	s15 =	simm.s32 $0x4;
	s16 =	sadd.s32 $0x40, s16;
	s12 =	sor.u32 $0x4000, s31;
	[tilespmem:s13+$0x1830 ss:$0x81] =	vst.msk $0xffff, v3  }
.LBB1_3:
0x37: {  	v3 =	vld [tilespmem:s16+$0x10];
	p1 =	sne.s32 s15, $0x1FC;
	[tilespmem:s13+$0x810 ss:$0x81] =	vst.msk $0xffff, v2;
	s17 =	smov.u32 s15;
	s15 =	sadd.s32 $0x4, s15  }
.Ltmp3:
0x38: {  	v2 =	vld [tilespmem:s16+$0xFFFFFFF0];
	[tilespmem:s13+$0x1020 ss:$0x81] =	vst.msk $0xffff, v0;
	(pc) =	sbr.rel @p1 .LBB1_3-.Ltmp3, $4  }
0x39: {  	v0 =	vld [tilespmem:s16+$0x0];
	[tilespmem:s13+$0x0 ss:$0x81] =	vst.msk $0xffff, v1  }
0x3a: {  	s13 =	sshra.s32 s17, $0x2;
	v1 =	vld [tilespmem:s16+$0xFFFFFFE0]  }
0x3b: {  	s13 =	sadd.s32 s13, s14  }
0x3c: {  	s16 =	sadd.s32 $0x40, s16;
	[tilespmem:s13+$0x1830 ss:$0x81] =	vst.msk $0xffff, v3  }
.Ltmp4:
0x3d: {  	_ = 	snop;
	(pc) =	sbr.rel .LBB1_4-.Ltmp4, $1  }
0x3e: {  	_ =	sdelay $0x3  }
.LBB1_6:
0x3f: {  	_ =	sfence.sel $0x180000  }
0x40: {  	s2 =	simm.s32 $0x1;
	[bflag:$0x0] =	sbarrier.arrive $0xFFFF  }
0x41: {  	s31 =	simm.s32 $0x2;
	[sflag:s2] =	ssyncpa.u1 $0x1  }
0x42: {  	[sflag:s31] =	ssyncpa.u1 $0x1  }
0x43: {  	p0 =	sne.s32 s0, $0x0;
	_ =	strace $0x9000004A  }
0x44: {  	s0 =	sadd.s32 @!p0 $0x100000, s1;
	[bflag:$0x2] =	sbarrier.arrive $0xFFFF  }
0x45: {  	[sflag:s0] =	ssyncadd.tile.s32 @!p0 $0x1;
	_ =	shalt  }
.Lfunc_end1:
_tile_overlayer_lowered:
.L_overlay_start_2:
0x46: {  	(tag) =	ssettag $0x2  }
0x47: {  	s0 =	rddreg [dreg:$0x0];
	s2 =	stileid.u32  }
0x48: {  	s1 =	rddreg [dreg:$0x1];
	p0 =	sne.s32 s2, $0x0  }
0x49: {  	s3 =	rddreg [dreg:$0x2];
	[bflag:$0x3] =	sbarrier.arrive $0xFFFF;
	s2 =	simm.s32 @!p0 $0x1C01  }
0x4a: {  	[timem:s3], [sflag:s2] =	dma.local @!p0 [hbm:s0], s1  }
0x4b: {  	s0 =	simm.s32 @!p0 $0x1  }
0x4c: {  	_ =	swait.ge @!p0 [sflag:s0], s1  }
0x4d: {  	s1 =	ssub.s32 @!p0 $0x0, s1;
	[sflag:s0] =	ssyncset.done @!p0 $0x0  }
0x4e: {  	[sflag:s0] =	ssyncadd.s32 @!p0 s1  }
0x4f: {  	[bflag:$0x3] =	sbarrier.arrive $0xFFFF  }
0x50: {  	_ =	shalt  }

</sc_bundles>
